<compile_context>
chip_gen: v7x
topology: tpu7x:2x2x1
jax: 0.10.2.dev20260603
libtpu: 0.0.44.dev20260713+nightly
codegen_flags: <defaults>
</compile_context>

<pallas_src>
import jax
import jax.numpy as jnp
from jax import lax
from jax.experimental import pallas as pl
from jax.experimental.pallas import tpu as pltpu
from jax.experimental.pallas import tpu_sc as plsc

N = 10000
E = 320000
D = 128
DE = 8
G = 100
NW = 50
NDF = 8
H1 = 16

NC = 2
NS = 16
CHUNK = 2048
NB = 5
PERW = E // (NC * NS)
TAIL = PERW - (NB - 1) * CHUNK
MSLAB = N // NS
NPAD = 10112
SLAB = NPAD // NS


def _relu(v):
    return jnp.maximum(v, 0.0)


BA = 2000


def _stage_a_body(x_ref, wp1, bp1, wp2, bp2, wp3, bp3,
                  wq1, bq1, wq2, bq2, wq3, bq3, wn1, ws1,
                  xprep_ref, msg_ref, xwn_ref, xws_ref, dagf_ref):
    x = x_ref[...]
    wx = jnp.concatenate([wp1[...], wn1[0:D], ws1[0:D]], axis=1)
    hx = x @ wx
    h = _relu(hx[:, 0:H1] + bp1[...])
    h = _relu(h @ wp2[...] + bp2[...])
    xp = h @ wp3[...] + bp3[...]
    xprep_ref[...] = xp
    m = _relu(xp @ wq1[...] + bq1[...])
    m = _relu(m @ wq2[...] + bq2[...])
    m = m @ wq3[...] + bq3[...]
    msg_ref[...] = jnp.pad(m, ((0, 0), (0, 16 - DE)))
    xwn_ref[...] = hx[:, H1:2 * H1]
    xws_ref[...] = hx[:, 2 * H1:3 * H1]
    i = pl.program_id(0)
    nd = G * BA // N
    dagf_ref[pl.ds(i * nd, nd), :] = x.reshape(-1, N // G, D)[:, 0, 0:NDF]


def _full_spec(a):
    nd = a.ndim
    return pl.BlockSpec(a.shape, lambda i, _n=nd: (0,) * _n)


def _stage_a(x, params):
    pp, pq = params["prep"], params["proc"]
    out_shape = (
        jax.ShapeDtypeStruct((N, DE), jnp.float32),
        jax.ShapeDtypeStruct((N, 16), jnp.float32),
        jax.ShapeDtypeStruct((N, H1), jnp.float32),
        jax.ShapeDtypeStruct((N, H1), jnp.float32),
        jax.ShapeDtypeStruct((G, NDF), jnp.float32),
    )
    args = (x, pp["W1"], pp["b1"], pp["W2"], pp["b2"], pp["W3"], pp["b3"],
            pq["W1"], pq["b1"], pq["W2"], pq["b2"], pq["W3"], pq["b3"],
            params["node"]["W1"], params["node_score"]["W1"])
    in_specs = [pl.BlockSpec((BA, D), lambda i: (i, 0))] + [
        _full_spec(a) for a in args[1:]]
    return pl.pallas_call(
        _stage_a_body,
        grid=(N // BA,),
        in_specs=in_specs,
        out_specs=(pl.BlockSpec((BA, DE), lambda i: (i, 0)),
                   pl.BlockSpec((BA, 16), lambda i: (i, 0)),
                   pl.BlockSpec((BA, H1), lambda i: (i, 0)),
                   pl.BlockSpec((BA, H1), lambda i: (i, 0)),
                   pl.BlockSpec((G, NDF), lambda i: (0, 0))),
        out_shape=out_shape,
    )(*args)


def _stage_b_body(msg_hbm, edge_hbm, zero_hbm, out_hbm,
                  agg_sh, msg_sh, src_v, dst_v, rows_a, rows_b,
                  sem_i, sem_a, sem_b):
    cid = lax.axis_index("c")
    sid = lax.axis_index("s")
    wid = cid * NS + sid
    base = wid * PERW
    pltpu.async_copy(msg_hbm.at[pl.ds(sid * MSLAB, MSLAB)],
                     msg_sh.at[pl.ds(sid * MSLAB, MSLAB)], sem_i)
    pltpu.sync_copy(zero_hbm, agg_sh.at[pl.ds(sid * SLAB, SLAB)])
    for j in range(NB - 1):
        pltpu.async_copy(
            edge_hbm.at[pl.ds(base + j * CHUNK, CHUNK)], src_v.at[j], sem_i)
        pltpu.async_copy(
            edge_hbm.at[pl.ds(E + base + j * CHUNK, CHUNK)], dst_v.at[j],
            sem_i)
    pltpu.async_copy(edge_hbm.at[pl.ds(base + (NB - 1) * CHUNK, TAIL)],
                     src_v.at[NB - 1, pl.ds(0, TAIL)], sem_i)
    pltpu.async_copy(edge_hbm.at[pl.ds(E + base + (NB - 1) * CHUNK, TAIL)],
                     dst_v.at[NB - 1, pl.ds(0, TAIL)], sem_i)

    @pl.loop(0, CHUNK - TAIL, step=16)
    def _(i):
        src_v[NB - 1, pl.ds(TAIL + i, 16)] = jnp.zeros((16,), jnp.int32)
        dst_v[NB - 1, pl.ds(TAIL + i, 16)] = jnp.full((16,), N, jnp.int32)

    pltpu.make_async_copy(msg_hbm.at[pl.ds(sid * MSLAB, MSLAB)],
                          msg_sh.at[pl.ds(sid * MSLAB, MSLAB)], sem_i).wait()
    for j in range(NB - 1):
        pltpu.make_async_copy(
            edge_hbm.at[pl.ds(base + j * CHUNK, CHUNK)], src_v.at[j],
            sem_i).wait()
        pltpu.make_async_copy(
            edge_hbm.at[pl.ds(E + base + j * CHUNK, CHUNK)], dst_v.at[j],
            sem_i).wait()
    pltpu.make_async_copy(edge_hbm.at[pl.ds(base + (NB - 1) * CHUNK, TAIL)],
                          src_v.at[NB - 1, pl.ds(0, TAIL)], sem_i).wait()
    pltpu.make_async_copy(edge_hbm.at[pl.ds(E + base + (NB - 1) * CHUNK, TAIL)],
                          dst_v.at[NB - 1, pl.ds(0, TAIL)], sem_i).wait()
    plsc.subcore_barrier()

    pltpu.async_copy(msg_sh.at[src_v.at[0]], rows_a, sem_a)

    @pl.loop(0, NB - 1, step=2)
    def _(j):
        pltpu.async_copy(msg_sh.at[src_v.at[j + 1]], rows_b, sem_b)
        pltpu.make_async_copy(msg_sh.at[src_v.at[j]], rows_a, sem_a).wait()
        pltpu.sync_copy(rows_a, agg_sh.at[dst_v.at[j]], add=True)
        pltpu.async_copy(msg_sh.at[src_v.at[j + 2]], rows_a, sem_a)
        pltpu.make_async_copy(msg_sh.at[src_v.at[j + 1]], rows_b, sem_b).wait()
        pltpu.sync_copy(rows_b, agg_sh.at[dst_v.at[j + 1]], add=True)

    pltpu.make_async_copy(msg_sh.at[src_v.at[NB - 1]], rows_a, sem_a).wait()
    pltpu.sync_copy(rows_a, agg_sh.at[dst_v.at[NB - 1]], add=True)

    plsc.subcore_barrier()
    pltpu.sync_copy(agg_sh.at[pl.ds(sid * SLAB, SLAB)],
                    out_hbm.at[cid, pl.ds(sid * SLAB, SLAB)])


def _stage_b(msg_pad, edge_index, zero_slab):
    mesh = plsc.VectorSubcoreMesh(core_axis_name="c", subcore_axis_name="s")
    kern = pl.kernel(
        _stage_b_body,
        out_type=jax.ShapeDtypeStruct((NC, NPAD, 16), jnp.float32),
        mesh=mesh,
        scratch_types=[
            pltpu.VMEM_SHARED((NPAD, 16), jnp.float32),
            pltpu.VMEM_SHARED((N, 16), jnp.float32),
            pltpu.VMEM((NB, CHUNK), jnp.int32),
            pltpu.VMEM((NB, CHUNK), jnp.int32),
            pltpu.VMEM((CHUNK, 16), jnp.float32),
            pltpu.VMEM((CHUNK, 16), jnp.float32),
            pltpu.SemaphoreType.DMA,
            pltpu.SemaphoreType.DMA,
            pltpu.SemaphoreType.DMA,
        ],
        compiler_params=pltpu.CompilerParams(use_tc_tiling_on_sc=False),
    )
    return kern(msg_pad, edge_index, zero_slab)


def _stage_c_body(parts_ref, xprep_ref, xwn_ref, xws_ref, dagf_ref,
                  wa1, ba1, wa2, ba2, wa3, ba3,
                  wn1, bn1, wn2, bn2, wn3, bn3,
                  wd1, bd1, wd2, bd2, wd3, bd3,
                  ws1, bs1, ws2, bs2, ws3, bs3,
                  wf1, bf1, wf2, bf2, wf3, bf3,
                  nsc_ref, dsc_ref):
    agg = parts_ref[0, 0:N, 0:DE] + parts_ref[1, 0:N, 0:DE]
    ga = _relu(agg @ wa1[...] + ba1[...])
    ga = _relu(ga @ wa2[...] + ba2[...])
    node_emb = xprep_ref[...] + (ga @ wa3[...] + ba3[...])

    wne = jnp.concatenate([wn1[D:], ws1[D:D + DE]], axis=1)
    hne = node_emb @ wne
    h = _relu(xwn_ref[...] + hne[:, 0:H1] + bn1[...])
    h = _relu(h @ wn2[...] + bn2[...])
    nodes_merged = h @ wn3[...] + bn3[...]

    dag_emb = nodes_merged.reshape(G, N // G, DE).sum(axis=1)

    gd = _relu(dag_emb @ wd1[...] + bd1[...])
    gd = _relu(gd @ wd2[...] + bd2[...])
    gd = gd @ wd3[...] + bd3[...]
    glob = jnp.sum(gd, axis=0, keepdims=True)

    d1 = dag_emb @ ws1[D + DE:D + 2 * DE]
    drep = jnp.broadcast_to(d1[:, None, :],
                            (G, N // G, H1)).reshape(N, H1)
    s = _relu(xws_ref[...] + hne[:, H1:2 * H1] + drep
              + glob @ ws1[D + 2 * DE:] + bs1[...])
    s = _relu(s @ ws2[...] + bs2[...])
    nsc_ref[...] = s @ ws3[...] + bs3[...]

    m1 = dagf_ref[...] @ wf1[0:NDF] + dag_emb @ wf1[NDF:NDF + DE]
    g2 = glob @ wf1[NDF + DE:NDF + 2 * DE]
    w1 = (lax.broadcasted_iota(jnp.int32, (NW, 1), 0).astype(jnp.float32)
          @ wf1[NDF + 2 * DE:])
    pre = (m1[:, None, :] + w1[None, :, :] + g2 + bf1[...]
           ).reshape(G * NW, H1)
    hh = _relu(pre)
    hh = _relu(hh @ wf2[...] + bf2[...])
    dsc_ref[...] = hh @ wf3[...] + bf3[...]


def _stage_c(parts, x_prep, xwn, xws, dag_feats, params):
    pa, pn = params["agg"], params["node"]
    pd, ps, pf = params["dag"], params["node_score"], params["dag_score"]
    out_shape = (
        jax.ShapeDtypeStruct((N, 1), jnp.float32),
        jax.ShapeDtypeStruct((G * NW, 1), jnp.float32),
    )
    return pl.pallas_call(_stage_c_body, out_shape=out_shape)(
        parts, x_prep, xwn, xws, dag_feats,
        pa["W1"], pa["b1"], pa["W2"], pa["b2"], pa["W3"], pa["b3"],
        pn["W1"], pn["b1"], pn["W2"], pn["b2"], pn["W3"], pn["b3"],
        pd["W1"], pd["b1"], pd["W2"], pd["b2"], pd["W3"], pd["b3"],
        ps["W1"], ps["b1"], ps["W2"], ps["b2"], ps["W3"], ps["b3"],
        pf["W1"], pf["b1"], pf["W2"], pf["b2"], pf["W3"], pf["b3"])


@jax.jit
def kernel(x, edge_index, ptr, params):
    x_prep, msg_pad, xwn, xws, dag_feats = _stage_a(x, params)
    zero_slab = jnp.zeros((SLAB, 16), jnp.float32)
    parts = _stage_b(msg_pad, edge_index.reshape(2 * E), zero_slab)
    nsc, dsc = _stage_c(parts, x_prep, xwn, xws, dag_feats, params)
    return nsc[:, 0], dsc[:, 0].reshape(G, NW)

# --- scband reference (transcript-rebuilt; emitter-appended) ---
"""Pipeline reference for scband-actor-network-120259085245 (READ-ONLY COPY).

The authoritative reference and input builder live on the scoring server;
editing this copy changes nothing except your own understanding.
"""

import jax, jax.numpy as jnp
import numpy as np

N = 10000
E = 320000
D = 128
DE = 8
G = 100
NW = 50
NDF = 8


def _mlp_params(key, in_ch, out_ch, h1=16, h2=8):
    k1, k2, k3 = jax.random.split(key, 3)
    def lin(k, i, o):
        return jax.random.normal(k, (i, o), jnp.float32) / np.sqrt(i)
    return {
        "W1": lin(k1, in_ch, h1), "b1": jnp.zeros((h1,), jnp.float32),
        "W2": lin(k2, h1, h2), "b2": jnp.zeros((h2,), jnp.float32),
        "W3": lin(k3, h2, out_ch), "b3": jnp.zeros((out_ch,), jnp.float32),
    }


def _mlp(p, x):
    x = jax.nn.relu(x @ p["W1"] + p["b1"])
    x = jax.nn.relu(x @ p["W2"] + p["b2"])
    return x @ p["W3"] + p["b3"]


def setup_inputs(seed: int = 0):
    key = jax.random.key(seed)
    ks = jax.random.split(key, 10)
    x = jax.random.normal(ks[0], (N, D), jnp.float32)
    edge_index = jax.random.randint(ks[1], (2, E), 0, N, jnp.int32)
    ptr = jnp.arange(G + 1, dtype=jnp.int32) * (N // G)
    params = {
        "prep": _mlp_params(ks[2], D, DE),
        "proc": _mlp_params(ks[3], DE, DE),
        "agg": _mlp_params(ks[4], DE, DE),
        "node": _mlp_params(ks[5], D + DE, DE),
        "dag": _mlp_params(ks[6], DE, DE),
        "node_score": _mlp_params(ks[7], D + 3 * DE, 1),
        "dag_score": _mlp_params(ks[8], NDF + 2 * DE + 1, 1),
    }
    return {"x": x, "edge_index": edge_index, "ptr": ptr, "params": params}


def reference(x, edge_index, ptr, params):
    src = edge_index[0]
    dst = edge_index[1]
    # GCNConv: x_prep = mlp_prep(x); agg = scatter_add(mlp_proc(x_prep)[src] -> dst); out = x_prep + mlp_agg(agg)
    x_prep = _mlp(params["prep"], x)
    msg = _mlp(params["proc"], x_prep)
    agg = jax.ops.segment_sum(msg[src], dst, num_segments=N)
    node_emb = x_prep + _mlp(params["agg"], agg)
    # per-dag embeddings (global_add_pool over batch ids)
    nodes_merged = _mlp(params["node"], jnp.concatenate([x, node_emb], axis=1))
    nn_per_dag = ptr[1:] - ptr[:-1]
    batch = jnp.repeat(jnp.arange(G, dtype=jnp.int32), nn_per_dag, total_repeat_length=N)
    dag_emb = jax.ops.segment_sum(nodes_merged, batch, num_segments=G)
    # global embedding (unbatched obs path: sum over all dags)
    global_emb = _mlp(params["dag"], dag_emb).sum(axis=0, keepdims=True)
    # node scores
    dag_rep = jnp.repeat(dag_emb, nn_per_dag, axis=0, total_repeat_length=N)
    glob_rep = jnp.broadcast_to(global_emb, (N, DE))
    node_inputs = jnp.concatenate([x, node_emb, dag_rep, glob_rep], axis=1)
    node_scores = _mlp(params["node_score"], node_inputs)[:, 0]
    # dag scores
    dag_feats = x[ptr[:-1], :NDF]
    worker_actions = jnp.tile(jnp.arange(NW, dtype=jnp.float32), G)[:, None]
    merged = jnp.concatenate([dag_feats, dag_emb], axis=1)
    merged_rep = jnp.repeat(merged, NW, axis=0, total_repeat_length=G * NW)
    glob_rep2 = jnp.broadcast_to(global_emb, (G * NW, DE))
    dag_inputs = jnp.concatenate([merged_rep, glob_rep2, worker_actions], axis=1)
    dag_scores = _mlp(params["dag_score"], dag_inputs)[:, 0].reshape(G, NW)
    return (node_scores, dag_scores)

if __name__ == "__main__":
    import jax
    _d = setup_inputs()
    print(jax.jit(kernel)(*tuple(_d.values())))

</pallas_src>

<mosaic_0001>
#map = affine_map<(d0, d1) -> (0, 0)>
#map1 = affine_map<(d0, d1) -> (0)>
#map2 = affine_map<(d0, d1) -> (0, 0, 0)>
module attributes {stable_mosaic.version = 14 : i64} {
  func.func @_stage_b_body(%arg0: i32, %arg1: i32, %arg2: memref<10000x16xf32, #tpu.memory_space<hbm>>, %arg3: memref<640000xi32, #tpu.memory_space<hbm>>, %arg4: memref<632x16xf32, #tpu.memory_space<hbm>>, %arg5: memref<2x10112x16xf32, #tpu.memory_space<hbm>>, %arg6: memref<10112x16xf32, #tpu.memory_space<vmem_shared>>, %arg7: memref<10000x16xf32, #tpu.memory_space<vmem_shared>>, %arg8: memref<5x2048xi32, #tpu.memory_space<vmem>>, %arg9: memref<5x2048xi32, #tpu.memory_space<vmem>>, %arg10: memref<2048x16xf32, #tpu.memory_space<vmem>>, %arg11: memref<2048x16xf32, #tpu.memory_space<vmem>>, %arg12: memref<!tpu.dma_semaphore, #tpu.memory_space<semaphore_mem>>, %arg13: memref<!tpu.dma_semaphore, #tpu.memory_space<semaphore_mem>>, %arg14: memref<!tpu.dma_semaphore, #tpu.memory_space<semaphore_mem>>) attributes {dimension_semantics = [#tpu.dimension_semantics<core_parallel>, #tpu.dimension_semantics<subcore_parallel>], iteration_bounds = array<i64: 2, 16>, scalar_prefetch = 0 : i64, scratch_operands = 9 : i64, tpu.core_type = #tpu.core_type<sc_vector_subcore>, window_params = [{transform_indices = #map}, {transform_indices = #map1}, {transform_indices = #map}, {transform_indices = #map2}]} {
    %mul3A = arith.constant 16 : i32
    %mul3A_0 = arith.muli %arg0, %mul3A : i32
    %add3A = arith.addi %mul3A_0, %arg1 : i32
    %mul3A_1 = arith.constant 10000 : i32
    %mul3A_2 = arith.muli %add3A, %mul3A_1 : i32
    %mul3A_3 = arith.constant 625 : i32
    %mul3A_4 = arith.muli %arg1, %mul3A_3 : i32
    %mul3A_5 = arith.constant 625 : i32
    %mul3A_6 = arith.muli %arg1, %mul3A_5 : i32
    %dma_start3A = arith.constant 0 : i32
    %dma_start3A_7 = tpu.memref_slice %arg7[%mul3A_6, %dma_start3A] : memref<10000x16xf32, #tpu.memory_space<vmem_shared>> -> memref<625x16xf32, #tpu.memory_space<vmem_shared>>
    %dma_start3A_8 = arith.constant 0 : i32
    %dma_start3A_9 = tpu.memref_slice %arg2[%mul3A_4, %dma_start3A_8] : memref<10000x16xf32, #tpu.memory_space<hbm>> -> memref<625x16xf32, #tpu.memory_space<hbm>>
    tpu.enqueue_dma source(%dma_start3A_9 : memref<625x16xf32, #tpu.memory_space<hbm>>) target(%dma_start3A_7 : memref<625x16xf32, #tpu.memory_space<vmem_shared>>) target_semaphore(%arg12 : memref<!tpu.dma_semaphore, #tpu.memory_space<semaphore_mem>>)
    %mul3A_10 = arith.constant 632 : i32
    %mul3A_11 = arith.muli %arg1, %mul3A_10 : i32
    "tpu.region"() ({
      %run_scoped3A_287 = tpu.sem_alloc : memref<!tpu.dma_semaphore, #tpu.memory_space<semaphore_mem>>
      %dma_start3A_288 = arith.constant 0 : i32
      %dma_start3A_289 = tpu.memref_slice %arg6[%mul3A_11, %dma_start3A_288] : memref<10112x16xf32, #tpu.memory_space<vmem_shared>> -> memref<632x16xf32, #tpu.memory_space<vmem_shared>>
      tpu.enqueue_dma source(%arg4 : memref<632x16xf32, #tpu.memory_space<hbm>>) target(%dma_start3A_289 : memref<632x16xf32, #tpu.memory_space<vmem_shared>>) target_semaphore(%run_scoped3A_287 : memref<!tpu.dma_semaphore, #tpu.memory_space<semaphore_mem>>)
      %dma_wait3A_290 = arith.constant 0 : i32
      %dma_wait3A_291 = tpu.memref_slice %arg6[%mul3A_11, %dma_wait3A_290] : memref<10112x16xf32, #tpu.memory_space<vmem_shared>> -> memref<632x16xf32, #tpu.memory_space<vmem_shared>>
      tpu.wait_dma2 semaphore(%run_scoped3A_287 : memref<!tpu.dma_semaphore, #tpu.memory_space<semaphore_mem>>) src(%arg4 : memref<632x16xf32, #tpu.memory_space<hbm>>) dst(%dma_wait3A_291 : memref<632x16xf32, #tpu.memory_space<vmem_shared>>)
      tpu.yield
    }) : () -> ()
    %add3A_12 = arith.constant 0 : i32
    %add3A_13 = arith.addi %mul3A_2, %add3A_12 : i32
    %dma_start3A_14 = arith.constant 0 : i32
    %dma_start3A_15 = arith.constant 0 : i32
    %dma_start3A_16 = tpu.memref_slice %arg8[%dma_start3A_14, %dma_start3A_15] : memref<5x2048xi32, #tpu.memory_space<vmem>> -> memref<1x2048xi32, #tpu.memory_space<vmem>>
    %dma_start3A_17 = tpu.memref_squeeze %dma_start3A_16 : memref<1x2048xi32, #tpu.memory_space<vmem>> -> memref<2048xi32, #tpu.memory_space<vmem>>
    %dma_start3A_18 = tpu.memref_slice %arg3[%add3A_13] : memref<640000xi32, #tpu.memory_space<hbm>> -> memref<2048xi32, #tpu.memory_space<hbm>>
    %dma_start3A_19 = arith.constant 0 : i32
    %dma_start3A_20 = tpu.memref_slice %arg8[%dma_start3A_14, %dma_start3A_19] : memref<5x2048xi32, #tpu.memory_space<vmem>> -> memref<1x2048xi32, #tpu.memory_space<vmem>>
    %dma_start3A_21 = tpu.memref_squeeze %dma_start3A_20 : memref<1x2048xi32, #tpu.memory_space<vmem>> -> memref<2048xi32, #tpu.memory_space<vmem>>
    %dma_start3A_22 = tpu.memref_slice %arg3[%add3A_13] : memref<640000xi32, #tpu.memory_space<hbm>> -> memref<2048xi32, #tpu.memory_space<hbm>>
    tpu.enqueue_dma source(%dma_start3A_22 : memref<2048xi32, #tpu.memory_space<hbm>>) target(%dma_start3A_21 : memref<2048xi32, #tpu.memory_space<vmem>>) target_semaphore(%arg12 : memref<!tpu.dma_semaphore, #tpu.memory_space<semaphore_mem>>)
    %add3A_23 = arith.constant 320000 : i32
    %add3A_24 = arith.addi %add3A_23, %mul3A_2 : i32
    %add3A_25 = arith.constant 0 : i32
    %add3A_26 = arith.addi %add3A_24, %add3A_25 : i32
    %dma_start3A_27 = arith.constant 0 : i32
    %dma_start3A_28 = arith.constant 0 : i32
    %dma_start3A_29 = tpu.memref_slice %arg9[%dma_start3A_27, %dma_start3A_28] : memref<5x2048xi32, #tpu.memory_space<vmem>> -> memref<1x2048xi32, #tpu.memory_space<vmem>>
    %dma_start3A_30 = tpu.memref_squeeze %dma_start3A_29 : memref<1x2048xi32, #tpu.memory_space<vmem>> -> memref<2048xi32, #tpu.memory_space<vmem>>
    %dma_start3A_31 = tpu.memref_slice %arg3[%add3A_26] : memref<640000xi32, #tpu.memory_space<hbm>> -> memref<2048xi32, #tpu.memory_space<hbm>>
    %dma_start3A_32 = arith.constant 0 : i32
    %dma_start3A_33 = tpu.memref_slice %arg9[%dma_start3A_27, %dma_start3A_32] : memref<5x2048xi32, #tpu.memory_space<vmem>> -> memref<1x2048xi32, #tpu.memory_space<vmem>>
    %dma_start3A_34 = tpu.memref_squeeze %dma_start3A_33 : memref<1x2048xi32, #tpu.memory_space<vmem>> -> memref<2048xi32, #tpu.memory_space<vmem>>
    %dma_start3A_35 = tpu.memref_slice %arg3[%add3A_26] : memref<640000xi32, #tpu.memory_space<hbm>> -> memref<2048xi32, #tpu.memory_space<hbm>>
    tpu.enqueue_dma source(%dma_start3A_35 : memref<2048xi32, #tpu.memory_space<hbm>>) target(%dma_start3A_34 : memref<2048xi32, #tpu.memory_space<vmem>>) target_semaphore(%arg12 : memref<!tpu.dma_semaphore, #tpu.memory_space<semaphore_mem>>)
    %add3A_36 = arith.constant 2048 : i32
    %add3A_37 = arith.addi %mul3A_2, %add3A_36 : i32
    %dma_start3A_38 = arith.constant 1 : i32
    %dma_start3A_39 = arith.constant 0 : i32
    %dma_start3A_40 = tpu.memref_slice %arg8[%dma_start3A_38, %dma_start3A_39] : memref<5x2048xi32, #tpu.memory_space<vmem>> -> memref<1x2048xi32, #tpu.memory_space<vmem>>
    %dma_start3A_41 = tpu.memref_squeeze %dma_start3A_40 : memref<1x2048xi32, #tpu.memory_space<vmem>> -> memref<2048xi32, #tpu.memory_space<vmem>>
    %dma_start3A_42 = tpu.memref_slice %arg3[%add3A_37] : memref<640000xi32, #tpu.memory_space<hbm>> -> memref<2048xi32, #tpu.memory_space<hbm>>
    %dma_start3A_43 = arith.constant 0 : i32
    %dma_start3A_44 = tpu.memref_slice %arg8[%dma_start3A_38, %dma_start3A_43] : memref<5x2048xi32, #tpu.memory_space<vmem>> -> memref<1x2048xi32, #tpu.memory_space<vmem>>
    %dma_start3A_45 = tpu.memref_squeeze %dma_start3A_44 : memref<1x2048xi32, #tpu.memory_space<vmem>> -> memref<2048xi32, #tpu.memory_space<vmem>>
    %dma_start3A_46 = tpu.memref_slice %arg3[%add3A_37] : memref<640000xi32, #tpu.memory_space<hbm>> -> memref<2048xi32, #tpu.memory_space<hbm>>
    tpu.enqueue_dma source(%dma_start3A_46 : memref<2048xi32, #tpu.memory_space<hbm>>) target(%dma_start3A_45 : memref<2048xi32, #tpu.memory_space<vmem>>) target_semaphore(%arg12 : memref<!tpu.dma_semaphore, #tpu.memory_space<semaphore_mem>>)
    %add3A_47 = arith.constant 320000 : i32
    %add3A_48 = arith.addi %add3A_47, %mul3A_2 : i32
    %add3A_49 = arith.constant 2048 : i32
    %add3A_50 = arith.addi %add3A_48, %add3A_49 : i32
    %dma_start3A_51 = arith.constant 1 : i32
    %dma_start3A_52 = arith.constant 0 : i32
    %dma_start3A_53 = tpu.memref_slice %arg9[%dma_start3A_51, %dma_start3A_52] : memref<5x2048xi32, #tpu.memory_space<vmem>> -> memref<1x2048xi32, #tpu.memory_space<vmem>>
    %dma_start3A_54 = tpu.memref_squeeze %dma_start3A_53 : memref<1x2048xi32, #tpu.memory_space<vmem>> -> memref<2048xi32, #tpu.memory_space<vmem>>
    %dma_start3A_55 = tpu.memref_slice %arg3[%add3A_50] : memref<640000xi32, #tpu.memory_space<hbm>> -> memref<2048xi32, #tpu.memory_space<hbm>>
    %dma_start3A_56 = arith.constant 0 : i32
    %dma_start3A_57 = tpu.memref_slice %arg9[%dma_start3A_51, %dma_start3A_56] : memref<5x2048xi32, #tpu.memory_space<vmem>> -> memref<1x2048xi32, #tpu.memory_space<vmem>>
    %dma_start3A_58 = tpu.memref_squeeze %dma_start3A_57 : memref<1x2048xi32, #tpu.memory_space<vmem>> -> memref<2048xi32, #tpu.memory_space<vmem>>
    %dma_start3A_59 = tpu.memref_slice %arg3[%add3A_50] : memref<640000xi32, #tpu.memory_space<hbm>> -> memref<2048xi32, #tpu.memory_space<hbm>>
    tpu.enqueue_dma source(%dma_start3A_59 : memref<2048xi32, #tpu.memory_space<hbm>>) target(%dma_start3A_58 : memref<2048xi32, #tpu.memory_space<vmem>>) target_semaphore(%arg12 : memref<!tpu.dma_semaphore, #tpu.memory_space<semaphore_mem>>)
    %add3A_60 = arith.constant 4096 : i32
    %add3A_61 = arith.addi %mul3A_2, %add3A_60 : i32
    %dma_start3A_62 = arith.constant 2 : i32
    %dma_start3A_63 = arith.constant 0 : i32
    %dma_start3A_64 = tpu.memref_slice %arg8[%dma_start3A_62, %dma_start3A_63] : memref<5x2048xi32, #tpu.memory_space<vmem>> -> memref<1x2048xi32, #tpu.memory_space<vmem>>
    %dma_start3A_65 = tpu.memref_squeeze %dma_start3A_64 : memref<1x2048xi32, #tpu.memory_space<vmem>> -> memref<2048xi32, #tpu.memory_space<vmem>>
    %dma_start3A_66 = tpu.memref_slice %arg3[%add3A_61] : memref<640000xi32, #tpu.memory_space<hbm>> -> memref<2048xi32, #tpu.memory_space<hbm>>
    %dma_start3A_67 = arith.constant 0 : i32
    %dma_start3A_68 = tpu.memref_slice %arg8[%dma_start3A_62, %dma_start3A_67] : memref<5x2048xi32, #tpu.memory_space<vmem>> -> memref<1x2048xi32, #tpu.memory_space<vmem>>
    %dma_start3A_69 = tpu.memref_squeeze %dma_start3A_68 : memref<1x2048xi32, #tpu.memory_space<vmem>> -> memref<2048xi32, #tpu.memory_space<vmem>>
    %dma_start3A_70 = tpu.memref_slice %arg3[%add3A_61] : memref<640000xi32, #tpu.memory_space<hbm>> -> memref<2048xi32, #tpu.memory_space<hbm>>
    tpu.enqueue_dma source(%dma_start3A_70 : memref<2048xi32, #tpu.memory_space<hbm>>) target(%dma_start3A_69 : memref<2048xi32, #tpu.memory_space<vmem>>) target_semaphore(%arg12 : memref<!tpu.dma_semaphore, #tpu.memory_space<semaphore_mem>>)
    %add3A_71 = arith.constant 320000 : i32
    %add3A_72 = arith.addi %add3A_71, %mul3A_2 : i32
    %add3A_73 = arith.constant 4096 : i32
    %add3A_74 = arith.addi %add3A_72, %add3A_73 : i32
    %dma_start3A_75 = arith.constant 2 : i32
    %dma_start3A_76 = arith.constant 0 : i32
    %dma_start3A_77 = tpu.memref_slice %arg9[%dma_start3A_75, %dma_start3A_76] : memref<5x2048xi32, #tpu.memory_space<vmem>> -> memref<1x2048xi32, #tpu.memory_space<vmem>>
    %dma_start3A_78 = tpu.memref_squeeze %dma_start3A_77 : memref<1x2048xi32, #tpu.memory_space<vmem>> -> memref<2048xi32, #tpu.memory_space<vmem>>
    %dma_start3A_79 = tpu.memref_slice %arg3[%add3A_74] : memref<640000xi32, #tpu.memory_space<hbm>> -> memref<2048xi32, #tpu.memory_space<hbm>>
    %dma_start3A_80 = arith.constant 0 : i32
    %dma_start3A_81 = tpu.memref_slice %arg9[%dma_start3A_75, %dma_start3A_80] : memref<5x2048xi32, #tpu.memory_space<vmem>> -> memref<1x2048xi32, #tpu.memory_space<vmem>>
    %dma_start3A_82 = tpu.memref_squeeze %dma_start3A_81 : memref<1x2048xi32, #tpu.memory_space<vmem>> -> memref<2048xi32, #tpu.memory_space<vmem>>
    %dma_start3A_83 = tpu.memref_slice %arg3[%add3A_74] : memref<640000xi32, #tpu.memory_space<hbm>> -> memref<2048xi32, #tpu.memory_space<hbm>>
    tpu.enqueue_dma source(%dma_start3A_83 : memref<2048xi32, #tpu.memory_space<hbm>>) target(%dma_start3A_82 : memref<2048xi32, #tpu.memory_space<vmem>>) target_semaphore(%arg12 : memref<!tpu.dma_semaphore, #tpu.memory_space<semaphore_mem>>)
    %add3A_84 = arith.constant 6144 : i32
    %add3A_85 = arith.addi %mul3A_2, %add3A_84 : i32
    %dma_start3A_86 = arith.constant 3 : i32
    %dma_start3A_87 = arith.constant 0 : i32
    %dma_start3A_88 = tpu.memref_slice %arg8[%dma_start3A_86, %dma_start3A_87] : memref<5x2048xi32, #tpu.memory_space<vmem>> -> memref<1x2048xi32, #tpu.memory_space<vmem>>
    %dma_start3A_89 = tpu.memref_squeeze %dma_start3A_88 : memref<1x2048xi32, #tpu.memory_space<vmem>> -> memref<2048xi32, #tpu.memory_space<vmem>>
    %dma_start3A_90 = tpu.memref_slice %arg3[%add3A_85] : memref<640000xi32, #tpu.memory_space<hbm>> -> memref<2048xi32, #tpu.memory_space<hbm>>
    %dma_start3A_91 = arith.constant 0 : i32
    %dma_start3A_92 = tpu.memref_slice %arg8[%dma_start3A_86, %dma_start3A_91] : memref<5x2048xi32, #tpu.memory_space<vmem>> -> memref<1x2048xi32, #tpu.memory_space<vmem>>
    %dma_start3A_93 = tpu.memref_squeeze %dma_start3A_92 : memref<1x2048xi32, #tpu.memory_space<vmem>> -> memref<2048xi32, #tpu.memory_space<vmem>>
    %dma_start3A_94 = tpu.memref_slice %arg3[%add3A_85] : memref<640000xi32, #tpu.memory_space<hbm>> -> memref<2048xi32, #tpu.memory_space<hbm>>
    tpu.enqueue_dma source(%dma_start3A_94 : memref<2048xi32, #tpu.memory_space<hbm>>) target(%dma_start3A_93 : memref<2048xi32, #tpu.memory_space<vmem>>) target_semaphore(%arg12 : memref<!tpu.dma_semaphore, #tpu.memory_space<semaphore_mem>>)
    %add3A_95 = arith.constant 320000 : i32
    %add3A_96 = arith.addi %add3A_95, %mul3A_2 : i32
    %add3A_97 = arith.constant 6144 : i32
    %add3A_98 = arith.addi %add3A_96, %add3A_97 : i32
    %dma_start3A_99 = arith.constant 3 : i32
    %dma_start3A_100 = arith.constant 0 : i32
    %dma_start3A_101 = tpu.memref_slice %arg9[%dma_start3A_99, %dma_start3A_100] : memref<5x2048xi32, #tpu.memory_space<vmem>> -> memref<1x2048xi32, #tpu.memory_space<vmem>>
    %dma_start3A_102 = tpu.memref_squeeze %dma_start3A_101 : memref<1x2048xi32, #tpu.memory_space<vmem>> -> memref<2048xi32, #tpu.memory_space<vmem>>
    %dma_start3A_103 = tpu.memref_slice %arg3[%add3A_98] : memref<640000xi32, #tpu.memory_space<hbm>> -> memref<2048xi32, #tpu.memory_space<hbm>>
    %dma_start3A_104 = arith.constant 0 : i32
    %dma_start3A_105 = tpu.memref_slice %arg9[%dma_start3A_99, %dma_start3A_104] : memref<5x2048xi32, #tpu.memory_space<vmem>> -> memref<1x2048xi32, #tpu.memory_space<vmem>>
    %dma_start3A_106 = tpu.memref_squeeze %dma_start3A_105 : memref<1x2048xi32, #tpu.memory_space<vmem>> -> memref<2048xi32, #tpu.memory_space<vmem>>
    %dma_start3A_107 = tpu.memref_slice %arg3[%add3A_98] : memref<640000xi32, #tpu.memory_space<hbm>> -> memref<2048xi32, #tpu.memory_space<hbm>>
    tpu.enqueue_dma source(%dma_start3A_107 : memref<2048xi32, #tpu.memory_space<hbm>>) target(%dma_start3A_106 : memref<2048xi32, #tpu.memory_space<vmem>>) target_semaphore(%arg12 : memref<!tpu.dma_semaphore, #tpu.memory_space<semaphore_mem>>)
    %add3A_108 = arith.constant 8192 : i32
    %add3A_109 = arith.addi %mul3A_2, %add3A_108 : i32
    %dma_start3A_110 = arith.constant 4 : i32
    %dma_start3A_111 = arith.constant 0 : i32
    %dma_start3A_112 = tpu.memref_slice %arg8[%dma_start3A_110, %dma_start3A_111] : memref<5x2048xi32, #tpu.memory_space<vmem>> -> memref<1x1808xi32, #tpu.memory_space<vmem>>
    %dma_start3A_113 = tpu.memref_squeeze %dma_start3A_112 : memref<1x1808xi32, #tpu.memory_space<vmem>> -> memref<1808xi32, #tpu.memory_space<vmem>>
    %dma_start3A_114 = tpu.memref_slice %arg3[%add3A_109] : memref<640000xi32, #tpu.memory_space<hbm>> -> memref<1808xi32, #tpu.memory_space<hbm>>
    %dma_start3A_115 = arith.constant 0 : i32
    %dma_start3A_116 = tpu.memref_slice %arg8[%dma_start3A_110, %dma_start3A_115] : memref<5x2048xi32, #tpu.memory_space<vmem>> -> memref<1x1808xi32, #tpu.memory_space<vmem>>
    %dma_start3A_117 = tpu.memref_squeeze %dma_start3A_116 : memref<1x1808xi32, #tpu.memory_space<vmem>> -> memref<1808xi32, #tpu.memory_space<vmem>>
    %dma_start3A_118 = tpu.memref_slice %arg3[%add3A_109] : memref<640000xi32, #tpu.memory_space<hbm>> -> memref<1808xi32, #tpu.memory_space<hbm>>
    tpu.enqueue_dma source(%dma_start3A_118 : memref<1808xi32, #tpu.memory_space<hbm>>) target(%dma_start3A_117 : memref<1808xi32, #tpu.memory_space<vmem>>) target_semaphore(%arg12 : memref<!tpu.dma_semaphore, #tpu.memory_space<semaphore_mem>>)
    %add3A_119 = arith.constant 320000 : i32
    %add3A_120 = arith.addi %add3A_119, %mul3A_2 : i32
    %add3A_121 = arith.constant 8192 : i32
    %add3A_122 = arith.addi %add3A_120, %add3A_121 : i32
    %dma_start3A_123 = arith.constant 4 : i32
    %dma_start3A_124 = arith.constant 0 : i32
    %dma_start3A_125 = tpu.memref_slice %arg9[%dma_start3A_123, %dma_start3A_124] : memref<5x2048xi32, #tpu.memory_space<vmem>> -> memref<1x1808xi32, #tpu.memory_space<vmem>>
    %dma_start3A_126 = tpu.memref_squeeze %dma_start3A_125 : memref<1x1808xi32, #tpu.memory_space<vmem>> -> memref<1808xi32, #tpu.memory_space<vmem>>
    %dma_start3A_127 = tpu.memref_slice %arg3[%add3A_122] : memref<640000xi32, #tpu.memory_space<hbm>> -> memref<1808xi32, #tpu.memory_space<hbm>>
    %dma_start3A_128 = arith.constant 0 : i32
    %dma_start3A_129 = tpu.memref_slice %arg9[%dma_start3A_123, %dma_start3A_128] : memref<5x2048xi32, #tpu.memory_space<vmem>> -> memref<1x1808xi32, #tpu.memory_space<vmem>>
    %dma_start3A_130 = tpu.memref_squeeze %dma_start3A_129 : memref<1x1808xi32, #tpu.memory_space<vmem>> -> memref<1808xi32, #tpu.memory_space<vmem>>
    %dma_start3A_131 = tpu.memref_slice %arg3[%add3A_122] : memref<640000xi32, #tpu.memory_space<hbm>> -> memref<1808xi32, #tpu.memory_space<hbm>>
    tpu.enqueue_dma source(%dma_start3A_131 : memref<1808xi32, #tpu.memory_space<hbm>>) target(%dma_start3A_130 : memref<1808xi32, #tpu.memory_space<vmem>>) target_semaphore(%arg12 : memref<!tpu.dma_semaphore, #tpu.memory_space<semaphore_mem>>)
    %scan3A = arith.constant 0 : i32
    %scan3A_132 = arith.constant 15 : i32
    %scan3A_133 = arith.addi %scan3A, %scan3A_132 : i32
    %scan3A_134 = arith.constant 1 : i32
    scf.for %scan3A_287 = %scan3A to %scan3A_133 step %scan3A_134  : i32 {
      %mul3A_288 = arith.constant 16 : i32
      %mul3A_289 = arith.muli %scan3A_287, %mul3A_288 : i32
      %add3A_290 = arith.constant 0 : i32
      %add3A_291 = arith.addi %add3A_290, %mul3A_289 : i32
      %broadcast_in_dim3A = arith.constant 0 : i32
      %broadcast_in_dim3A_292 = vector.broadcast %broadcast_in_dim3A : i32 to vector<16xi32>
      %add3A_293 = arith.constant 1808 : i32
      %add3A_294 = arith.addi %add3A_293, %add3A_291 : i32
      %swap3A = arith.constant 4 : i32
      %swap3A_295 = arith.index_cast %swap3A : i32 to index
      %swap3A_296 = arith.index_cast %add3A_294 : i32 to index
      %swap3A_297 = tpu.vector_load %arg8[%swap3A_295, %swap3A_296] {strides = array<i32>} : memref<5x2048xi32, #tpu.memory_space<vmem>>, vector<1x16xi32>,
      %swap3A_298 = vector.shape_cast %swap3A_297 : vector<1x16xi32> to vector<16xi32>
      %swap3A_299 = vector.shape_cast %broadcast_in_dim3A_292 : vector<16xi32> to vector<1x16xi32>
      tpu.vector_store %arg8[%swap3A_295, %swap3A_296], %swap3A_299 {strides = array<i32>} : memref<5x2048xi32, #tpu.memory_space<vmem>>, vector<1x16xi32>,
      %broadcast_in_dim3A_300 = arith.constant 10000 : i32
      %broadcast_in_dim3A_301 = vector.broadcast %broadcast_in_dim3A_300 : i32 to vector<16xi32>
      %add3A_302 = arith.constant 1808 : i32
      %add3A_303 = arith.addi %add3A_302, %add3A_291 : i32
      %swap3A_304 = arith.constant 4 : i32
      %swap3A_305 = arith.index_cast %swap3A_304 : i32 to index
      %swap3A_306 = arith.index_cast %add3A_303 : i32 to index
      %swap3A_307 = tpu.vector_load %arg9[%swap3A_305, %swap3A_306] {strides = array<i32>} : memref<5x2048xi32, #tpu.memory_space<vmem>>, vector<1x16xi32>,
      %swap3A_308 = vector.shape_cast %swap3A_307 : vector<1x16xi32> to vector<16xi32>
      %swap3A_309 = vector.shape_cast %broadcast_in_dim3A_301 : vector<16xi32> to vector<1x16xi32>
      tpu.vector_store %arg9[%swap3A_305, %swap3A_306], %swap3A_309 {strides = array<i32>} : memref<5x2048xi32, #tpu.memory_space<vmem>>, vector<1x16xi32>,
    }
    %scan3A_135 = arith.constant 15 : i32
    %mul3A_136 = arith.constant 625 : i32
    %mul3A_137 = arith.muli %arg1, %mul3A_136 : i32
    %mul3A_138 = arith.constant 625 : i32
    %mul3A_139 = arith.muli %arg1, %mul3A_138 : i32
    %dma_wait3A = arith.constant 0 : i32
    %dma_wait3A_140 = tpu.memref_slice %arg7[%mul3A_139, %dma_wait3A] : memref<10000x16xf32, #tpu.memory_space<vmem_shared>> -> memref<625x16xf32, #tpu.memory_space<vmem_shared>>
    %dma_wait3A_141 = arith.constant 0 : i32
    %dma_wait3A_142 = tpu.memref_slice %arg2[%mul3A_137, %dma_wait3A_141] : memref<10000x16xf32, #tpu.memory_space<hbm>> -> memref<625x16xf32, #tpu.memory_space<hbm>>
    tpu.wait_dma2 semaphore(%arg12 : memref<!tpu.dma_semaphore, #tpu.memory_space<semaphore_mem>>) src(%dma_wait3A_142 : memref<625x16xf32, #tpu.memory_space<hbm>>) dst(%dma_wait3A_140 : memref<625x16xf32, #tpu.memory_space<vmem_shared>>)
    %add3A_143 = arith.constant 0 : i32
    %add3A_144 = arith.addi %mul3A_2, %add3A_143 : i32
    %dma_wait3A_145 = arith.constant 0 : i32
    %dma_wait3A_146 = arith.constant 0 : i32
    %dma_wait3A_147 = tpu.memref_slice %arg8[%dma_wait3A_145, %dma_wait3A_146] : memref<5x2048xi32, #tpu.memory_space<vmem>> -> memref<1x2048xi32, #tpu.memory_space<vmem>>
    %dma_wait3A_148 = tpu.memref_squeeze %dma_wait3A_147 : memref<1x2048xi32, #tpu.memory_space<vmem>> -> memref<2048xi32, #tpu.memory_space<vmem>>
    %dma_wait3A_149 = tpu.memref_slice %arg3[%add3A_144] : memref<640000xi32, #tpu.memory_space<hbm>> -> memref<2048xi32, #tpu.memory_space<hbm>>
    %dma_wait3A_150 = arith.constant 0 : i32
    %dma_wait3A_151 = tpu.memref_slice %arg8[%dma_wait3A_145, %dma_wait3A_150] : memref<5x2048xi32, #tpu.memory_space<vmem>> -> memref<1x2048xi32, #tpu.memory_space<vmem>>
    %dma_wait3A_152 = tpu.memref_squeeze %dma_wait3A_151 : memref<1x2048xi32, #tpu.memory_space<vmem>> -> memref<2048xi32, #tpu.memory_space<vmem>>
    %dma_wait3A_153 = tpu.memref_slice %arg3[%add3A_144] : memref<640000xi32, #tpu.memory_space<hbm>> -> memref<2048xi32, #tpu.memory_space<hbm>>
    tpu.wait_dma2 semaphore(%arg12 : memref<!tpu.dma_semaphore, #tpu.memory_space<semaphore_mem>>) src(%dma_wait3A_153 : memref<2048xi32, #tpu.memory_space<hbm>>) dst(%dma_wait3A_152 : memref<2048xi32, #tpu.memory_space<vmem>>)
    %add3A_154 = arith.constant 320000 : i32
    %add3A_155 = arith.addi %add3A_154, %mul3A_2 : i32
    %add3A_156 = arith.constant 0 : i32
    %add3A_157 = arith.addi %add3A_155, %add3A_156 : i32
    %dma_wait3A_158 = arith.constant 0 : i32
    %dma_wait3A_159 = arith.constant 0 : i32
    %dma_wait3A_160 = tpu.memref_slice %arg9[%dma_wait3A_158, %dma_wait3A_159] : memref<5x2048xi32, #tpu.memory_space<vmem>> -> memref<1x2048xi32, #tpu.memory_space<vmem>>
    %dma_wait3A_161 = tpu.memref_squeeze %dma_wait3A_160 : memref<1x2048xi32, #tpu.memory_space<vmem>> -> memref<2048xi32, #tpu.memory_space<vmem>>
    %dma_wait3A_162 = tpu.memref_slice %arg3[%add3A_157] : memref<640000xi32, #tpu.memory_space<hbm>> -> memref<2048xi32, #tpu.memory_space<hbm>>
    %dma_wait3A_163 = arith.constant 0 : i32
    %dma_wait3A_164 = tpu.memref_slice %arg9[%dma_wait3A_158, %dma_wait3A_163] : memref<5x2048xi32, #tpu.memory_space<vmem>> -> memref<1x2048xi32, #tpu.memory_space<vmem>>
    %dma_wait3A_165 = tpu.memref_squeeze %dma_wait3A_164 : memref<1x2048xi32, #tpu.memory_space<vmem>> -> memref<2048xi32, #tpu.memory_space<vmem>>
    %dma_wait3A_166 = tpu.memref_slice %arg3[%add3A_157] : memref<640000xi32, #tpu.memory_space<hbm>> -> memref<2048xi32, #tpu.memory_space<hbm>>
    tpu.wait_dma2 semaphore(%arg12 : memref<!tpu.dma_semaphore, #tpu.memory_space<semaphore_mem>>) src(%dma_wait3A_166 : memref<2048xi32, #tpu.memory_space<hbm>>) dst(%dma_wait3A_165 : memref<2048xi32, #tpu.memory_space<vmem>>)
    %add3A_167 = arith.constant 2048 : i32
    %add3A_168 = arith.addi %mul3A_2, %add3A_167 : i32
    %dma_wait3A_169 = arith.constant 1 : i32
    %dma_wait3A_170 = arith.constant 0 : i32
    %dma_wait3A_171 = tpu.memref_slice %arg8[%dma_wait3A_169, %dma_wait3A_170] : memref<5x2048xi32, #tpu.memory_space<vmem>> -> memref<1x2048xi32, #tpu.memory_space<vmem>>
    %dma_wait3A_172 = tpu.memref_squeeze %dma_wait3A_171 : memref<1x2048xi32, #tpu.memory_space<vmem>> -> memref<2048xi32, #tpu.memory_space<vmem>>
    %dma_wait3A_173 = tpu.memref_slice %arg3[%add3A_168] : memref<640000xi32, #tpu.memory_space<hbm>> -> memref<2048xi32, #tpu.memory_space<hbm>>
    %dma_wait3A_174 = arith.constant 0 : i32
    %dma_wait3A_175 = tpu.memref_slice %arg8[%dma_wait3A_169, %dma_wait3A_174] : memref<5x2048xi32, #tpu.memory_space<vmem>> -> memref<1x2048xi32, #tpu.memory_space<vmem>>
    %dma_wait3A_176 = tpu.memref_squeeze %dma_wait3A_175 : memref<1x2048xi32, #tpu.memory_space<vmem>> -> memref<2048xi32, #tpu.memory_space<vmem>>
    %dma_wait3A_177 = tpu.memref_slice %arg3[%add3A_168] : memref<640000xi32, #tpu.memory_space<hbm>> -> memref<2048xi32, #tpu.memory_space<hbm>>
    tpu.wait_dma2 semaphore(%arg12 : memref<!tpu.dma_semaphore, #tpu.memory_space<semaphore_mem>>) src(%dma_wait3A_177 : memref<2048xi32, #tpu.memory_space<hbm>>) dst(%dma_wait3A_176 : memref<2048xi32, #tpu.memory_space<vmem>>)
    %add3A_178 = arith.constant 320000 : i32
    %add3A_179 = arith.addi %add3A_178, %mul3A_2 : i32
    %add3A_180 = arith.constant 2048 : i32
    %add3A_181 = arith.addi %add3A_179, %add3A_180 : i32
    %dma_wait3A_182 = arith.constant 1 : i32
    %dma_wait3A_183 = arith.constant 0 : i32
    %dma_wait3A_184 = tpu.memref_slice %arg9[%dma_wait3A_182, %dma_wait3A_183] : memref<5x2048xi32, #tpu.memory_space<vmem>> -> memref<1x2048xi32, #tpu.memory_space<vmem>>
    %dma_wait3A_185 = tpu.memref_squeeze %dma_wait3A_184 : memref<1x2048xi32, #tpu.memory_space<vmem>> -> memref<2048xi32, #tpu.memory_space<vmem>>
    %dma_wait3A_186 = tpu.memref_slice %arg3[%add3A_181] : memref<640000xi32, #tpu.memory_space<hbm>> -> memref<2048xi32, #tpu.memory_space<hbm>>
    %dma_wait3A_187 = arith.constant 0 : i32
    %dma_wait3A_188 = tpu.memref_slice %arg9[%dma_wait3A_182, %dma_wait3A_187] : memref<5x2048xi32, #tpu.memory_space<vmem>> -> memref<1x2048xi32, #tpu.memory_space<vmem>>
    %dma_wait3A_189 = tpu.memref_squeeze %dma_wait3A_188 : memref<1x2048xi32, #tpu.memory_space<vmem>> -> memref<2048xi32, #tpu.memory_space<vmem>>
    %dma_wait3A_190 = tpu.memref_slice %arg3[%add3A_181] : memref<640000xi32, #tpu.memory_space<hbm>> -> memref<2048xi32, #tpu.memory_space<hbm>>
    tpu.wait_dma2 semaphore(%arg12 : memref<!tpu.dma_semaphore, #tpu.memory_space<semaphore_mem>>) src(%dma_wait3A_190 : memref<2048xi32, #tpu.memory_space<hbm>>) dst(%dma_wait3A_189 : memref<2048xi32, #tpu.memory_space<vmem>>)
    %add3A_191 = arith.constant 4096 : i32
    %add3A_192 = arith.addi %mul3A_2, %add3A_191 : i32
    %dma_wait3A_193 = arith.constant 2 : i32
    %dma_wait3A_194 = arith.constant 0 : i32
    %dma_wait3A_195 = tpu.memref_slice %arg8[%dma_wait3A_193, %dma_wait3A_194] : memref<5x2048xi32, #tpu.memory_space<vmem>> -> memref<1x2048xi32, #tpu.memory_space<vmem>>
    %dma_wait3A_196 = tpu.memref_squeeze %dma_wait3A_195 : memref<1x2048xi32, #tpu.memory_space<vmem>> -> memref<2048xi32, #tpu.memory_space<vmem>>
    %dma_wait3A_197 = tpu.memref_slice %arg3[%add3A_192] : memref<640000xi32, #tpu.memory_space<hbm>> -> memref<2048xi32, #tpu.memory_space<hbm>>
    %dma_wait3A_198 = arith.constant 0 : i32
    %dma_wait3A_199 = tpu.memref_slice %arg8[%dma_wait3A_193, %dma_wait3A_198] : memref<5x2048xi32, #tpu.memory_space<vmem>> -> memref<1x2048xi32, #tpu.memory_space<vmem>>
    %dma_wait3A_200 = tpu.memref_squeeze %dma_wait3A_199 : memref<1x2048xi32, #tpu.memory_space<vmem>> -> memref<2048xi32, #tpu.memory_space<vmem>>
    %dma_wait3A_201 = tpu.memref_slice %arg3[%add3A_192] : memref<640000xi32, #tpu.memory_space<hbm>> -> memref<2048xi32, #tpu.memory_space<hbm>>
    tpu.wait_dma2 semaphore(%arg12 : memref<!tpu.dma_semaphore, #tpu.memory_space<semaphore_mem>>) src(%dma_wait3A_201 : memref<2048xi32, #tpu.memory_space<hbm>>) dst(%dma_wait3A_200 : memref<2048xi32, #tpu.memory_space<vmem>>)
    %add3A_202 = arith.constant 320000 : i32
    %add3A_203 = arith.addi %add3A_202, %mul3A_2 : i32
    %add3A_204 = arith.constant 4096 : i32
    %add3A_205 = arith.addi %add3A_203, %add3A_204 : i32
    %dma_wait3A_206 = arith.constant 2 : i32
    %dma_wait3A_207 = arith.constant 0 : i32
    %dma_wait3A_208 = tpu.memref_slice %arg9[%dma_wait3A_206, %dma_wait3A_207] : memref<5x2048xi32, #tpu.memory_space<vmem>> -> memref<1x2048xi32, #tpu.memory_space<vmem>>
    %dma_wait3A_209 = tpu.memref_squeeze %dma_wait3A_208 : memref<1x2048xi32, #tpu.memory_space<vmem>> -> memref<2048xi32, #tpu.memory_space<vmem>>
    %dma_wait3A_210 = tpu.memref_slice %arg3[%add3A_205] : memref<640000xi32, #tpu.memory_space<hbm>> -> memref<2048xi32, #tpu.memory_space<hbm>>
    %dma_wait3A_211 = arith.constant 0 : i32
    %dma_wait3A_212 = tpu.memref_slice %arg9[%dma_wait3A_206, %dma_wait3A_211] : memref<5x2048xi32, #tpu.memory_space<vmem>> -> memref<1x2048xi32, #tpu.memory_space<vmem>>
    %dma_wait3A_213 = tpu.memref_squeeze %dma_wait3A_212 : memref<1x2048xi32, #tpu.memory_space<vmem>> -> memref<2048xi32, #tpu.memory_space<vmem>>
    %dma_wait3A_214 = tpu.memref_slice %arg3[%add3A_205] : memref<640000xi32, #tpu.memory_space<hbm>> -> memref<2048xi32, #tpu.memory_space<hbm>>
    tpu.wait_dma2 semaphore(%arg12 : memref<!tpu.dma_semaphore, #tpu.memory_space<semaphore_mem>>) src(%dma_wait3A_214 : memref<2048xi32, #tpu.memory_space<hbm>>) dst(%dma_wait3A_213 : memref<2048xi32, #tpu.memory_space<vmem>>)
    %add3A_215 = arith.constant 6144 : i32
    %add3A_216 = arith.addi %mul3A_2, %add3A_215 : i32
    %dma_wait3A_217 = arith.constant 3 : i32
    %dma_wait3A_218 = arith.constant 0 : i32
    %dma_wait3A_219 = tpu.memref_slice %arg8[%dma_wait3A_217, %dma_wait3A_218] : memref<5x2048xi32, #tpu.memory_space<vmem>> -> memref<1x2048xi32, #tpu.memory_space<vmem>>
    %dma_wait3A_220 = tpu.memref_squeeze %dma_wait3A_219 : memref<1x2048xi32, #tpu.memory_space<vmem>> -> memref<2048xi32, #tpu.memory_space<vmem>>
    %dma_wait3A_221 = tpu.memref_slice %arg3[%add3A_216] : memref<640000xi32, #tpu.memory_space<hbm>> -> memref<2048xi32, #tpu.memory_space<hbm>>
    %dma_wait3A_222 = arith.constant 0 : i32
    %dma_wait3A_223 = tpu.memref_slice %arg8[%dma_wait3A_217, %dma_wait3A_222] : memref<5x2048xi32, #tpu.memory_space<vmem>> -> memref<1x2048xi32, #tpu.memory_space<vmem>>
    %dma_wait3A_224 = tpu.memref_squeeze %dma_wait3A_223 : memref<1x2048xi32, #tpu.memory_space<vmem>> -> memref<2048xi32, #tpu.memory_space<vmem>>
    %dma_wait3A_225 = tpu.memref_slice %arg3[%add3A_216] : memref<640000xi32, #tpu.memory_space<hbm>> -> memref<2048xi32, #tpu.memory_space<hbm>>
    tpu.wait_dma2 semaphore(%arg12 : memref<!tpu.dma_semaphore, #tpu.memory_space<semaphore_mem>>) src(%dma_wait3A_225 : memref<2048xi32, #tpu.memory_space<hbm>>) dst(%dma_wait3A_224 : memref<2048xi32, #tpu.memory_space<vmem>>)
    %add3A_226 = arith.constant 320000 : i32
    %add3A_227 = arith.addi %add3A_226, %mul3A_2 : i32
    %add3A_228 = arith.constant 6144 : i32
    %add3A_229 = arith.addi %add3A_227, %add3A_228 : i32
    %dma_wait3A_230 = arith.constant 3 : i32
    %dma_wait3A_231 = arith.constant 0 : i32
    %dma_wait3A_232 = tpu.memref_slice %arg9[%dma_wait3A_230, %dma_wait3A_231] : memref<5x2048xi32, #tpu.memory_space<vmem>> -> memref<1x2048xi32, #tpu.memory_space<vmem>>
    %dma_wait3A_233 = tpu.memref_squeeze %dma_wait3A_232 : memref<1x2048xi32, #tpu.memory_space<vmem>> -> memref<2048xi32, #tpu.memory_space<vmem>>
    %dma_wait3A_234 = tpu.memref_slice %arg3[%add3A_229] : memref<640000xi32, #tpu.memory_space<hbm>> -> memref<2048xi32, #tpu.memory_space<hbm>>
    %dma_wait3A_235 = arith.constant 0 : i32
    %dma_wait3A_236 = tpu.memref_slice %arg9[%dma_wait3A_230, %dma_wait3A_235] : memref<5x2048xi32, #tpu.memory_space<vmem>> -> memref<1x2048xi32, #tpu.memory_space<vmem>>
    %dma_wait3A_237 = tpu.memref_squeeze %dma_wait3A_236 : memref<1x2048xi32, #tpu.memory_space<vmem>> -> memref<2048xi32, #tpu.memory_space<vmem>>
    %dma_wait3A_238 = tpu.memref_slice %arg3[%add3A_229] : memref<640000xi32, #tpu.memory_space<hbm>> -> memref<2048xi32, #tpu.memory_space<hbm>>
    tpu.wait_dma2 semaphore(%arg12 : memref<!tpu.dma_semaphore, #tpu.memory_space<semaphore_mem>>) src(%dma_wait3A_238 : memref<2048xi32, #tpu.memory_space<hbm>>) dst(%dma_wait3A_237 : memref<2048xi32, #tpu.memory_space<vmem>>)
    %add3A_239 = arith.constant 8192 : i32
    %add3A_240 = arith.addi %mul3A_2, %add3A_239 : i32
    %dma_wait3A_241 = arith.constant 4 : i32
    %dma_wait3A_242 = arith.constant 0 : i32
    %dma_wait3A_243 = tpu.memref_slice %arg8[%dma_wait3A_241, %dma_wait3A_242] : memref<5x2048xi32, #tpu.memory_space<vmem>> -> memref<1x1808xi32, #tpu.memory_space<vmem>>
    %dma_wait3A_244 = tpu.memref_squeeze %dma_wait3A_243 : memref<1x1808xi32, #tpu.memory_space<vmem>> -> memref<1808xi32, #tpu.memory_space<vmem>>
    %dma_wait3A_245 = tpu.memref_slice %arg3[%add3A_240] : memref<640000xi32, #tpu.memory_space<hbm>> -> memref<1808xi32, #tpu.memory_space<hbm>>
    %dma_wait3A_246 = arith.constant 0 : i32
    %dma_wait3A_247 = tpu.memref_slice %arg8[%dma_wait3A_241, %dma_wait3A_246] : memref<5x2048xi32, #tpu.memory_space<vmem>> -> memref<1x1808xi32, #tpu.memory_space<vmem>>
    %dma_wait3A_248 = tpu.memref_squeeze %dma_wait3A_247 : memref<1x1808xi32, #tpu.memory_space<vmem>> -> memref<1808xi32, #tpu.memory_space<vmem>>
    %dma_wait3A_249 = tpu.memref_slice %arg3[%add3A_240] : memref<640000xi32, #tpu.memory_space<hbm>> -> memref<1808xi32, #tpu.memory_space<hbm>>
    tpu.wait_dma2 semaphore(%arg12 : memref<!tpu.dma_semaphore, #tpu.memory_space<semaphore_mem>>) src(%dma_wait3A_249 : memref<1808xi32, #tpu.memory_space<hbm>>) dst(%dma_wait3A_248 : memref<1808xi32, #tpu.memory_space<vmem>>)
    %add3A_250 = arith.constant 320000 : i32
    %add3A_251 = arith.addi %add3A_250, %mul3A_2 : i32
    %add3A_252 = arith.constant 8192 : i32
    %add3A_253 = arith.addi %add3A_251, %add3A_252 : i32
    %dma_wait3A_254 = arith.constant 4 : i32
    %dma_wait3A_255 = arith.constant 0 : i32
    %dma_wait3A_256 = tpu.memref_slice %arg9[%dma_wait3A_254, %dma_wait3A_255] : memref<5x2048xi32, #tpu.memory_space<vmem>> -> memref<1x1808xi32, #tpu.memory_space<vmem>>
    %dma_wait3A_257 = tpu.memref_squeeze %dma_wait3A_256 : memref<1x1808xi32, #tpu.memory_space<vmem>> -> memref<1808xi32, #tpu.memory_space<vmem>>
    %dma_wait3A_258 = tpu.memref_slice %arg3[%add3A_253] : memref<640000xi32, #tpu.memory_space<hbm>> -> memref<1808xi32, #tpu.memory_space<hbm>>
    %dma_wait3A_259 = arith.constant 0 : i32
    %dma_wait3A_260 = tpu.memref_slice %arg9[%dma_wait3A_254, %dma_wait3A_259] : memref<5x2048xi32, #tpu.memory_space<vmem>> -> memref<1x1808xi32, #tpu.memory_space<vmem>>
    %dma_wait3A_261 = tpu.memref_squeeze %dma_wait3A_260 : memref<1x1808xi32, #tpu.memory_space<vmem>> -> memref<1808xi32, #tpu.memory_space<vmem>>
    %dma_wait3A_262 = tpu.memref_slice %arg3[%add3A_253] : memref<640000xi32, #tpu.memory_space<hbm>> -> memref<1808xi32, #tpu.memory_space<hbm>>
    tpu.wait_dma2 semaphore(%arg12 : memref<!tpu.dma_semaphore, #tpu.memory_space<semaphore_mem>>) src(%dma_wait3A_262 : memref<1808xi32, #tpu.memory_space<hbm>>) dst(%dma_wait3A_261 : memref<1808xi32, #tpu.memory_space<vmem>>)
    %barrier3A = arith.constant 0 : index
    tpu.barrier barrier_id(%barrier3A)
    %dma_start3A_263 = arith.constant 0 : i32
    %dma_start3A_264 = arith.constant 0 : i32
    %dma_start3A_265 = tpu.memref_slice %arg8[%dma_start3A_263, %dma_start3A_264] : memref<5x2048xi32, #tpu.memory_space<vmem>> -> memref<1x2048xi32, #tpu.memory_space<vmem>>
    %dma_start3A_266 = tpu.memref_squeeze %dma_start3A_265 : memref<1x2048xi32, #tpu.memory_space<vmem>> -> memref<2048xi32, #tpu.memory_space<vmem>>
    %dma_start3A_267 = arith.constant 0 : i32
    %dma_start3A_268 = arith.constant 0 : i32
    %dma_start3A_269 = tpu.memref_slice %arg7[%dma_start3A_267, %dma_start3A_268] : memref<10000x16xf32, #tpu.memory_space<vmem_shared>> -> memref<10000x16xf32, #tpu.memory_space<vmem_shared>>
    tpu.enqueue_indirect_dma source(%dma_start3A_269 : memref<10000x16xf32, #tpu.memory_space<vmem_shared>>) target(%arg10 : memref<2048x16xf32, #tpu.memory_space<vmem>>) offsets(%dma_start3A_266 : memref<2048xi32, #tpu.memory_space<vmem>>) semaphore(%arg13 : memref<!tpu.dma_semaphore, #tpu.memory_space<semaphore_mem>>)
    %scan3A_270 = arith.constant 0 : i32
    %scan3A_271 = arith.constant 2 : i32
    %scan3A_272 = arith.addi %scan3A_270, %scan3A_271 : i32
    %scan3A_273 = arith.constant 1 : i32
    scf.for %scan3A_287 = %scan3A_270 to %scan3A_272 step %scan3A_273  : i32 {
      %mul3A_288 = arith.constant 2 : i32
      %mul3A_289 = arith.muli %scan3A_287, %mul3A_288 : i32
      %add3A_290 = arith.constant 0 : i32
      %add3A_291 = arith.addi %add3A_290, %mul3A_289 : i32
      %add3A_292 = arith.constant 1 : i32
      %add3A_293 = arith.addi %add3A_291, %add3A_292 : i32
      %dma_start3A_294 = arith.constant 0 : i32
      %dma_start3A_295 = tpu.memref_slice %arg8[%add3A_293, %dma_start3A_294] : memref<5x2048xi32, #tpu.memory_space<vmem>> -> memref<1x2048xi32, #tpu.memory_space<vmem>>
      %dma_start3A_296 = tpu.memref_squeeze %dma_start3A_295 : memref<1x2048xi32, #tpu.memory_space<vmem>> -> memref<2048xi32, #tpu.memory_space<vmem>>
      %dma_start3A_297 = arith.constant 0 : i32
      %dma_start3A_298 = arith.constant 0 : i32
      %dma_start3A_299 = tpu.memref_slice %arg7[%dma_start3A_297, %dma_start3A_298] : memref<10000x16xf32, #tpu.memory_space<vmem_shared>> -> memref<10000x16xf32, #tpu.memory_space<vmem_shared>>
      tpu.enqueue_indirect_dma source(%dma_start3A_299 : memref<10000x16xf32, #tpu.memory_space<vmem_shared>>) target(%arg11 : memref<2048x16xf32, #tpu.memory_space<vmem>>) offsets(%dma_start3A_296 : memref<2048xi32, #tpu.memory_space<vmem>>) semaphore(%arg14 : memref<!tpu.dma_semaphore, #tpu.memory_space<semaphore_mem>>)
      %dma_wait3A_300 = arith.constant 0 : i32
      %dma_wait3A_301 = tpu.memref_slice %arg8[%add3A_291, %dma_wait3A_300] : memref<5x2048xi32, #tpu.memory_space<vmem>> -> memref<1x2048xi32, #tpu.memory_space<vmem>>
      %dma_wait3A_302 = tpu.memref_squeeze %dma_wait3A_301 : memref<1x2048xi32, #tpu.memory_space<vmem>> -> memref<2048xi32, #tpu.memory_space<vmem>>
      %dma_wait3A_303 = arith.constant 0 : i32
      %dma_wait3A_304 = arith.constant 0 : i32
      %dma_wait3A_305 = tpu.memref_slice %arg7[%dma_wait3A_303, %dma_wait3A_304] : memref<10000x16xf32, #tpu.memory_space<vmem_shared>> -> memref<10000x16xf32, #tpu.memory_space<vmem_shared>>
      tpu.wait_indirect_dma semaphore(%arg13 : memref<!tpu.dma_semaphore, #tpu.memory_space<semaphore_mem>>) src(%dma_wait3A_305 : memref<10000x16xf32, #tpu.memory_space<vmem_shared>>) dst(%arg10 : memref<2048x16xf32, #tpu.memory_space<vmem>>)
      "tpu.region"() ({
        %run_scoped3A_324 = tpu.sem_alloc : memref<!tpu.dma_semaphore, #tpu.memory_space<semaphore_mem>>
        %dma_start3A_325 = arith.constant 0 : i32
        %dma_start3A_326 = tpu.memref_slice %arg9[%add3A_291, %dma_start3A_325] : memref<5x2048xi32, #tpu.memory_space<vmem>> -> memref<1x2048xi32, #tpu.memory_space<vmem>>
        %dma_start3A_327 = tpu.memref_squeeze %dma_start3A_326 : memref<1x2048xi32, #tpu.memory_space<vmem>> -> memref<2048xi32, #tpu.memory_space<vmem>>
        %dma_start3A_328 = arith.constant 0 : i32
        %dma_start3A_329 = arith.constant 0 : i32
        %dma_start3A_330 = tpu.memref_slice %arg6[%dma_start3A_328, %dma_start3A_329] : memref<10112x16xf32, #tpu.memory_space<vmem_shared>> -> memref<10112x16xf32, #tpu.memory_space<vmem_shared>>
        tpu.enqueue_indirect_dma source(%arg10 : memref<2048x16xf32, #tpu.memory_space<vmem>>) target(%dma_start3A_330 : memref<10112x16xf32, #tpu.memory_space<vmem_shared>>) offsets(%dma_start3A_327 : memref<2048xi32, #tpu.memory_space<vmem>>) semaphore(%run_scoped3A_324 : memref<!tpu.dma_semaphore, #tpu.memory_space<semaphore_mem>>) {add = true}
        %dma_wait3A_331 = arith.constant 0 : i32
        %dma_wait3A_332 = tpu.memref_slice %arg9[%add3A_291, %dma_wait3A_331] : memref<5x2048xi32, #tpu.memory_space<vmem>> -> memref<1x2048xi32, #tpu.memory_space<vmem>>
        %dma_wait3A_333 = tpu.memref_squeeze %dma_wait3A_332 : memref<1x2048xi32, #tpu.memory_space<vmem>> -> memref<2048xi32, #tpu.memory_space<vmem>>
        %dma_wait3A_334 = arith.constant 0 : i32
        %dma_wait3A_335 = arith.constant 0 : i32
        %dma_wait3A_336 = tpu.memref_slice %arg6[%dma_wait3A_334, %dma_wait3A_335] : memref<10112x16xf32, #tpu.memory_space<vmem_shared>> -> memref<10112x16xf32, #tpu.memory_space<vmem_shared>>
        tpu.wait_indirect_dma semaphore(%run_scoped3A_324 : memref<!tpu.dma_semaphore, #tpu.memory_space<semaphore_mem>>) src(%arg10 : memref<2048x16xf32, #tpu.memory_space<vmem>>) dst(%dma_wait3A_336 : memref<10112x16xf32, #tpu.memory_space<vmem_shared>>)
        tpu.yield
      }) : () -> ()
      %add3A_306 = arith.constant 2 : i32
      %add3A_307 = arith.addi %add3A_291, %add3A_306 : i32
      %dma_start3A_308 = arith.constant 0 : i32
      %dma_start3A_309 = tpu.memref_slice %arg8[%add3A_307, %dma_start3A_308] : memref<5x2048xi32, #tpu.memory_space<vmem>> -> memref<1x2048xi32, #tpu.memory_space<vmem>>
      %dma_start3A_310 = tpu.memref_squeeze %dma_start3A_309 : memref<1x2048xi32, #tpu.memory_space<vmem>> -> memref<2048xi32, #tpu.memory_space<vmem>>
      %dma_start3A_311 = arith.constant 0 : i32
      %dma_start3A_312 = arith.constant 0 : i32
      %dma_start3A_313 = tpu.memref_slice %arg7[%dma_start3A_311, %dma_start3A_312] : memref<10000x16xf32, #tpu.memory_space<vmem_shared>> -> memref<10000x16xf32, #tpu.memory_space<vmem_shared>>
      tpu.enqueue_indirect_dma source(%dma_start3A_313 : memref<10000x16xf32, #tpu.memory_space<vmem_shared>>) target(%arg10 : memref<2048x16xf32, #tpu.memory_space<vmem>>) offsets(%dma_start3A_310 : memref<2048xi32, #tpu.memory_space<vmem>>) semaphore(%arg13 : memref<!tpu.dma_semaphore, #tpu.memory_space<semaphore_mem>>)
      %add3A_314 = arith.constant 1 : i32
      %add3A_315 = arith.addi %add3A_291, %add3A_314 : i32
      %dma_wait3A_316 = arith.constant 0 : i32
      %dma_wait3A_317 = tpu.memref_slice %arg8[%add3A_315, %dma_wait3A_316] : memref<5x2048xi32, #tpu.memory_space<vmem>> -> memref<1x2048xi32, #tpu.memory_space<vmem>>
      %dma_wait3A_318 = tpu.memref_squeeze %dma_wait3A_317 : memref<1x2048xi32, #tpu.memory_space<vmem>> -> memref<2048xi32, #tpu.memory_space<vmem>>
      %dma_wait3A_319 = arith.constant 0 : i32
      %dma_wait3A_320 = arith.constant 0 : i32
      %dma_wait3A_321 = tpu.memref_slice %arg7[%dma_wait3A_319, %dma_wait3A_320] : memref<10000x16xf32, #tpu.memory_space<vmem_shared>> -> memref<10000x16xf32, #tpu.memory_space<vmem_shared>>
      tpu.wait_indirect_dma semaphore(%arg14 : memref<!tpu.dma_semaphore, #tpu.memory_space<semaphore_mem>>) src(%dma_wait3A_321 : memref<10000x16xf32, #tpu.memory_space<vmem_shared>>) dst(%arg11 : memref<2048x16xf32, #tpu.memory_space<vmem>>)
      %add3A_322 = arith.constant 1 : i32
      %add3A_323 = arith.addi %add3A_291, %add3A_322 : i32
      "tpu.region"() ({
        %run_scoped3A_324 = tpu.sem_alloc : memref<!tpu.dma_semaphore, #tpu.memory_space<semaphore_mem>>
        %dma_start3A_325 = arith.constant 0 : i32
        %dma_start3A_326 = tpu.memref_slice %arg9[%add3A_323, %dma_start3A_325] : memref<5x2048xi32, #tpu.memory_space<vmem>> -> memref<1x2048xi32, #tpu.memory_space<vmem>>
        %dma_start3A_327 = tpu.memref_squeeze %dma_start3A_326 : memref<1x2048xi32, #tpu.memory_space<vmem>> -> memref<2048xi32, #tpu.memory_space<vmem>>
        %dma_start3A_328 = arith.constant 0 : i32
        %dma_start3A_329 = arith.constant 0 : i32
        %dma_start3A_330 = tpu.memref_slice %arg6[%dma_start3A_328, %dma_start3A_329] : memref<10112x16xf32, #tpu.memory_space<vmem_shared>> -> memref<10112x16xf32, #tpu.memory_space<vmem_shared>>
        tpu.enqueue_indirect_dma source(%arg11 : memref<2048x16xf32, #tpu.memory_space<vmem>>) target(%dma_start3A_330 : memref<10112x16xf32, #tpu.memory_space<vmem_shared>>) offsets(%dma_start3A_327 : memref<2048xi32, #tpu.memory_space<vmem>>) semaphore(%run_scoped3A_324 : memref<!tpu.dma_semaphore, #tpu.memory_space<semaphore_mem>>) {add = true}
        %dma_wait3A_331 = arith.constant 0 : i32
        %dma_wait3A_332 = tpu.memref_slice %arg9[%add3A_323, %dma_wait3A_331] : memref<5x2048xi32, #tpu.memory_space<vmem>> -> memref<1x2048xi32, #tpu.memory_space<vmem>>
        %dma_wait3A_333 = tpu.memref_squeeze %dma_wait3A_332 : memref<1x2048xi32, #tpu.memory_space<vmem>> -> memref<2048xi32, #tpu.memory_space<vmem>>
        %dma_wait3A_334 = arith.constant 0 : i32
        %dma_wait3A_335 = arith.constant 0 : i32
        %dma_wait3A_336 = tpu.memref_slice %arg6[%dma_wait3A_334, %dma_wait3A_335] : memref<10112x16xf32, #tpu.memory_space<vmem_shared>> -> memref<10112x16xf32, #tpu.memory_space<vmem_shared>>
        tpu.wait_indirect_dma semaphore(%run_scoped3A_324 : memref<!tpu.dma_semaphore, #tpu.memory_space<semaphore_mem>>) src(%arg11 : memref<2048x16xf32, #tpu.memory_space<vmem>>) dst(%dma_wait3A_336 : memref<10112x16xf32, #tpu.memory_space<vmem_shared>>)
        tpu.yield
      }) : () -> ()
    }
    %scan3A_274 = arith.constant 2 : i32
    %dma_wait3A_275 = arith.constant 4 : i32
    %dma_wait3A_276 = arith.constant 0 : i32
    %dma_wait3A_277 = tpu.memref_slice %arg8[%dma_wait3A_275, %dma_wait3A_276] : memref<5x2048xi32, #tpu.memory_space<vmem>> -> memref<1x2048xi32, #tpu.memory_space<vmem>>
    %dma_wait3A_278 = tpu.memref_squeeze %dma_wait3A_277 : memref<1x2048xi32, #tpu.memory_space<vmem>> -> memref<2048xi32, #tpu.memory_space<vmem>>
    %dma_wait3A_279 = arith.constant 0 : i32
    %dma_wait3A_280 = arith.constant 0 : i32
    %dma_wait3A_281 = tpu.memref_slice %arg7[%dma_wait3A_279, %dma_wait3A_280] : memref<10000x16xf32, #tpu.memory_space<vmem_shared>> -> memref<10000x16xf32, #tpu.memory_space<vmem_shared>>
    tpu.wait_indirect_dma semaphore(%arg13 : memref<!tpu.dma_semaphore, #tpu.memory_space<semaphore_mem>>) src(%dma_wait3A_281 : memref<10000x16xf32, #tpu.memory_space<vmem_shared>>) dst(%arg10 : memref<2048x16xf32, #tpu.memory_space<vmem>>)
    %run_scoped3A = arith.constant 4 : i32
    "tpu.region"() ({
      %run_scoped3A_287 = tpu.sem_alloc : memref<!tpu.dma_semaphore, #tpu.memory_space<semaphore_mem>>
      %dma_start3A_288 = arith.constant 0 : i32
      %dma_start3A_289 = tpu.memref_slice %arg9[%run_scoped3A, %dma_start3A_288] : memref<5x2048xi32, #tpu.memory_space<vmem>> -> memref<1x2048xi32, #tpu.memory_space<vmem>>
      %dma_start3A_290 = tpu.memref_squeeze %dma_start3A_289 : memref<1x2048xi32, #tpu.memory_space<vmem>> -> memref<2048xi32, #tpu.memory_space<vmem>>
      %dma_start3A_291 = arith.constant 0 : i32
      %dma_start3A_292 = arith.constant 0 : i32
      %dma_start3A_293 = tpu.memref_slice %arg6[%dma_start3A_291, %dma_start3A_292] : memref<10112x16xf32, #tpu.memory_space<vmem_shared>> -> memref<10112x16xf32, #tpu.memory_space<vmem_shared>>
      tpu.enqueue_indirect_dma source(%arg10 : memref<2048x16xf32, #tpu.memory_space<vmem>>) target(%dma_start3A_293 : memref<10112x16xf32, #tpu.memory_space<vmem_shared>>) offsets(%dma_start3A_290 : memref<2048xi32, #tpu.memory_space<vmem>>) semaphore(%run_scoped3A_287 : memref<!tpu.dma_semaphore, #tpu.memory_space<semaphore_mem>>) {add = true}
      %dma_wait3A_294 = arith.constant 0 : i32
      %dma_wait3A_295 = tpu.memref_slice %arg9[%run_scoped3A, %dma_wait3A_294] : memref<5x2048xi32, #tpu.memory_space<vmem>> -> memref<1x2048xi32, #tpu.memory_space<vmem>>
      %dma_wait3A_296 = tpu.memref_squeeze %dma_wait3A_295 : memref<1x2048xi32, #tpu.memory_space<vmem>> -> memref<2048xi32, #tpu.memory_space<vmem>>
      %dma_wait3A_297 = arith.constant 0 : i32
      %dma_wait3A_298 = arith.constant 0 : i32
      %dma_wait3A_299 = tpu.memref_slice %arg6[%dma_wait3A_297, %dma_wait3A_298] : memref<10112x16xf32, #tpu.memory_space<vmem_shared>> -> memref<10112x16xf32, #tpu.memory_space<vmem_shared>>
      tpu.wait_indirect_dma semaphore(%run_scoped3A_287 : memref<!tpu.dma_semaphore, #tpu.memory_space<semaphore_mem>>) src(%arg10 : memref<2048x16xf32, #tpu.memory_space<vmem>>) dst(%dma_wait3A_299 : memref<10112x16xf32, #tpu.memory_space<vmem_shared>>)
      tpu.yield
    }) : () -> ()
    %barrier3A_282 = arith.constant 0 : index
    tpu.barrier barrier_id(%barrier3A_282)
    %mul3A_283 = arith.constant 632 : i32
    %mul3A_284 = arith.muli %arg1, %mul3A_283 : i32
    %mul3A_285 = arith.constant 632 : i32
    %mul3A_286 = arith.muli %arg1, %mul3A_285 : i32
    "tpu.region"() ({
      %run_scoped3A_287 = tpu.sem_alloc : memref<!tpu.dma_semaphore, #tpu.memory_space<semaphore_mem>>
      %dma_start3A_288 = arith.constant 0 : i32
      %dma_start3A_289 = tpu.memref_slice %arg5[%arg0, %mul3A_286, %dma_start3A_288] : memref<2x10112x16xf32, #tpu.memory_space<hbm>> -> memref<1x632x16xf32, #tpu.memory_space<hbm>>
      %dma_start3A_290 = tpu.memref_squeeze %dma_start3A_289 : memref<1x632x16xf32, #tpu.memory_space<hbm>> -> memref<632x16xf32, #tpu.memory_space<hbm>>
      %dma_start3A_291 = arith.constant 0 : i32
      %dma_start3A_292 = tpu.memref_slice %arg6[%mul3A_284, %dma_start3A_291] : memref<10112x16xf32, #tpu.memory_space<vmem_shared>> -> memref<632x16xf32, #tpu.memory_space<vmem_shared>>
      tpu.enqueue_dma source(%dma_start3A_292 : memref<632x16xf32, #tpu.memory_space<vmem_shared>>) target(%dma_start3A_290 : memref<632x16xf32, #tpu.memory_space<hbm>>) target_semaphore(%run_scoped3A_287 : memref<!tpu.dma_semaphore, #tpu.memory_space<semaphore_mem>>)
      %dma_wait3A_293 = arith.constant 0 : i32
      %dma_wait3A_294 = tpu.memref_slice %arg5[%arg0, %mul3A_286, %dma_wait3A_293] : memref<2x10112x16xf32, #tpu.memory_space<hbm>> -> memref<1x632x16xf32, #tpu.memory_space<hbm>>
      %dma_wait3A_295 = tpu.memref_squeeze %dma_wait3A_294 : memref<1x632x16xf32, #tpu.memory_space<hbm>> -> memref<632x16xf32, #tpu.memory_space<hbm>>
      %dma_wait3A_296 = arith.constant 0 : i32
      %dma_wait3A_297 = tpu.memref_slice %arg6[%mul3A_284, %dma_wait3A_296] : memref<10112x16xf32, #tpu.memory_space<vmem_shared>> -> memref<632x16xf32, #tpu.memory_space<vmem_shared>>
      tpu.wait_dma2 semaphore(%run_scoped3A_287 : memref<!tpu.dma_semaphore, #tpu.memory_space<semaphore_mem>>) src(%dma_wait3A_297 : memref<632x16xf32, #tpu.memory_space<vmem_shared>>) dst(%dma_wait3A_295 : memref<632x16xf32, #tpu.memory_space<hbm>>)
      tpu.yield
    }) : () -> ()
    return
  }
}

module attributes {stable_mosaic.version = 14 : i64} {
  func.func @_stage_a_body(%arg0: i32, %arg1: memref<2000x128xf32, #tpu.memory_space<vmem>>, %arg2: memref<128x16xf32, #tpu.memory_space<vmem>>, %arg3: memref<16xf32, #tpu.memory_space<vmem>>, %arg4: memref<16x8xf32, #tpu.memory_space<vmem>>, %arg5: memref<8xf32, #tpu.memory_space<vmem>>, %arg6: memref<8x8xf32, #tpu.memory_space<vmem>>, %arg7: memref<8xf32, #tpu.memory_space<vmem>>, %arg8: memref<8x16xf32, #tpu.memory_space<vmem>>, %arg9: memref<16xf32, #tpu.memory_space<vmem>>, %arg10: memref<16x8xf32, #tpu.memory_space<vmem>>, %arg11: memref<8xf32, #tpu.memory_space<vmem>>, %arg12: memref<8x8xf32, #tpu.memory_space<vmem>>, %arg13: memref<8xf32, #tpu.memory_space<vmem>>, %arg14: memref<136x16xf32, #tpu.memory_space<vmem>>, %arg15: memref<152x16xf32, #tpu.memory_space<vmem>>, %arg16: memref<2000x8xf32, #tpu.memory_space<vmem>>, %arg17: memref<2000x16xf32, #tpu.memory_space<vmem>>, %arg18: memref<2000x16xf32, #tpu.memory_space<vmem>>, %arg19: memref<2000x16xf32, #tpu.memory_space<vmem>>, %arg20: memref<100x8xf32, #tpu.memory_space<vmem>>) attributes {dimension_semantics = [#tpu.dimension_semantics<arbitrary>], iteration_bounds = array<i64: 5>, scalar_prefetch = 0 : i64, scratch_operands = 0 : i64, tpu.core_type = #tpu.core_type<tc>, window_params = [{transform_indices = @transform_0, window_bounds = array<i64: 2000, 128>}, {pipeline_mode = #tpu.pipeline_mode<synchronous>, transform_indices = @transform_1, window_bounds = array<i64: 128, 16>}, {pipeline_mode = #tpu.pipeline_mode<synchronous>, transform_indices = @transform_2, window_bounds = array<i64: 16>}, {pipeline_mode = #tpu.pipeline_mode<synchronous>, transform_indices = @transform_3, window_bounds = array<i64: 16, 8>}, {pipeline_mode = #tpu.pipeline_mode<synchronous>, transform_indices = @transform_4, window_bounds = array<i64: 8>}, {pipeline_mode = #tpu.pipeline_mode<synchronous>, transform_indices = @transform_5, window_bounds = array<i64: 8, 8>}, {pipeline_mode = #tpu.pipeline_mode<synchronous>, transform_indices = @transform_6, window_bounds = array<i64: 8>}, {pipeline_mode = #tpu.pipeline_mode<synchronous>, transform_indices = @transform_7, window_bounds = array<i64: 8, 16>}, {pipeline_mode = #tpu.pipeline_mode<synchronous>, transform_indices = @transform_8, window_bounds = array<i64: 16>}, {pipeline_mode = #tpu.pipeline_mode<synchronous>, transform_indices = @transform_9, window_bounds = array<i64: 16, 8>}, {pipeline_mode = #tpu.pipeline_mode<synchronous>, transform_indices = @transform_10, window_bounds = array<i64: 8>}, {pipeline_mode = #tpu.pipeline_mode<synchronous>, transform_indices = @transform_11, window_bounds = array<i64: 8, 8>}, {pipeline_mode = #tpu.pipeline_mode<synchronous>, transform_indices = @transform_12, window_bounds = array<i64: 8>}, {pipeline_mode = #tpu.pipeline_mode<synchronous>, transform_indices = @transform_13, window_bounds = array<i64: 136, 16>}, {pipeline_mode = #tpu.pipeline_mode<synchronous>, transform_indices = @transform_14, window_bounds = array<i64: 152, 16>}, {transform_indices = @transform_15, window_bounds = array<i64: 2000, 8>}, {transform_indices = @transform_16, window_bounds = array<i64: 2000, 16>}, {transform_indices = @transform_17, window_bounds = array<i64: 2000, 16>}, {transform_indices = @transform_18, window_bounds = array<i64: 2000, 16>}, {pipeline_mode = #tpu.pipeline_mode<synchronous>, transform_indices = @transform_19, window_bounds = array<i64: 100, 8>}]} {
    %get3A = arith.constant 0 : index
    %get3A_0 = arith.constant 0 : index
    %get3A_1 = vector.load %arg1[%get3A, %get3A_0] : memref<2000x128xf32, #tpu.memory_space<vmem>>, vector<2000x128xf32>
    %get3A_2 = arith.constant 0 : index
    %get3A_3 = arith.constant 0 : index
    %get3A_4 = vector.load %arg2[%get3A_2, %get3A_3] : memref<128x16xf32, #tpu.memory_space<vmem>>, vector<128x16xf32>
    %get3A_5 = arith.constant 0 : index
    %get3A_6 = arith.constant 0 : index
    %get3A_7 = vector.load %arg14[%get3A_5, %get3A_6] : memref<136x16xf32, #tpu.memory_space<vmem>>, vector<128x16xf32>
    %get3A_8 = arith.constant 0 : index
    %get3A_9 = arith.constant 0 : index
    %get3A_10 = vector.load %arg15[%get3A_8, %get3A_9] : memref<152x16xf32, #tpu.memory_space<vmem>>, vector<128x16xf32>
    %concatenate3A = tpu.concatenate %get3A_4, %get3A_7, %get3A_10 in 1 : vector<128x16xf32>, vector<128x16xf32>, vector<128x16xf32> -> vector<128x48xf32>
    %dot_general3A = arith.constant dense<0.000000e+00> : vector<2000x48xf32>
    %dot_general3A_11 = tpu.matmul %get3A_1, %concatenate3A, %dot_general3A {dimension_numbers = #tpu.dot_dimension_numbers<[1], [0], [0], [1], [0, 0, 1, 1], [], []>, transpose_lhs_hint = false} : vector<2000x128xf32>, vector<128x48xf32>, vector<2000x48xf32> -> vector<2000x48xf32>
    %slice3A = vector.extract_strided_slice %dot_general3A_11 {offsets = [0, 0], sizes = [2000, 16], strides = [1, 1]} : vector<2000x48xf32> to vector<2000x16xf32>
    %get3A_12 = arith.constant 0 : index
    %get3A_13 = vector.load %arg3[%get3A_12] : memref<16xf32, #tpu.memory_space<vmem>>, vector<16xf32>
    %broadcast_in_dim3A = vector.shape_cast %get3A_13 : vector<16xf32> to vector<1x16xf32>
    %add3A = vector.broadcast %broadcast_in_dim3A : vector<1x16xf32> to vector<2000x16xf32>
    %add3A_14 = arith.addf %slice3A, %add3A : vector<2000x16xf32>
    %max3A = arith.constant 0.000000e+00 : f32
    %max3A_15 = vector.broadcast %max3A : f32 to vector<2000x16xf32>
    %max3A_16 = arith.maximumf %add3A_14, %max3A_15 : vector<2000x16xf32>
    %get3A_17 = arith.constant 0 : index
    %get3A_18 = arith.constant 0 : index
    %get3A_19 = vector.load %arg4[%get3A_17, %get3A_18] : memref<16x8xf32, #tpu.memory_space<vmem>>, vector<16x8xf32>
    %dot_general3A_20 = arith.constant dense<0.000000e+00> : vector<2000x8xf32>
    %dot_general3A_21 = tpu.matmul %max3A_16, %get3A_19, %dot_general3A_20 {dimension_numbers = #tpu.dot_dimension_numbers<[1], [0], [0], [1], [0, 0, 1, 1], [], []>, transpose_lhs_hint = false} : vector<2000x16xf32>, vector<16x8xf32>, vector<2000x8xf32> -> vector<2000x8xf32>
    %get3A_22 = arith.constant 0 : index
    %get3A_23 = vector.load %arg5[%get3A_22] : memref<8xf32, #tpu.memory_space<vmem>>, vector<8xf32>
    %broadcast_in_dim3A_24 = vector.shape_cast %get3A_23 : vector<8xf32> to vector<1x8xf32>
    %add3A_25 = vector.broadcast %broadcast_in_dim3A_24 : vector<1x8xf32> to vector<2000x8xf32>
    %add3A_26 = arith.addf %dot_general3A_21, %add3A_25 : vector<2000x8xf32>
    %max3A_27 = arith.constant 0.000000e+00 : f32
    %max3A_28 = vector.broadcast %max3A_27 : f32 to vector<2000x8xf32>
    %max3A_29 = arith.maximumf %add3A_26, %max3A_28 : vector<2000x8xf32>
    %get3A_30 = arith.constant 0 : index
    %get3A_31 = arith.constant 0 : index
    %get3A_32 = vector.load %arg6[%get3A_30, %get3A_31] : memref<8x8xf32, #tpu.memory_space<vmem>>, vector<8x8xf32>
    %dot_general3A_33 = arith.constant dense<0.000000e+00> : vector<2000x8xf32>
    %dot_general3A_34 = tpu.matmul %max3A_29, %get3A_32, %dot_general3A_33 {dimension_numbers = #tpu.dot_dimension_numbers<[1], [0], [0], [1], [0, 0, 1, 1], [], []>, transpose_lhs_hint = false} : vector<2000x8xf32>, vector<8x8xf32>, vector<2000x8xf32> -> vector<2000x8xf32>
    %get3A_35 = arith.constant 0 : index
    %get3A_36 = vector.load %arg7[%get3A_35] : memref<8xf32, #tpu.memory_space<vmem>>, vector<8xf32>
    %broadcast_in_dim3A_37 = vector.shape_cast %get3A_36 : vector<8xf32> to vector<1x8xf32>
    %add3A_38 = vector.broadcast %broadcast_in_dim3A_37 : vector<1x8xf32> to vector<2000x8xf32>
    %add3A_39 = arith.addf %dot_general3A_34, %add3A_38 : vector<2000x8xf32>
    %swap3A = arith.constant 0 : index
    %swap3A_40 = arith.constant 0 : index
    %swap3A_41 = vector.load %arg16[%swap3A, %swap3A_40] : memref<2000x8xf32, #tpu.memory_space<vmem>>, vector<2000x8xf32>
    tpu.vector_store %arg16[%swap3A, %swap3A_40], %add3A_39 {strides = array<i32>} : memref<2000x8xf32, #tpu.memory_space<vmem>>, vector<2000x8xf32>,
    %get3A_42 = arith.constant 0 : index
    %get3A_43 = arith.constant 0 : index
    %get3A_44 = vector.load %arg8[%get3A_42, %get3A_43] : memref<8x16xf32, #tpu.memory_space<vmem>>, vector<8x16xf32>
    %dot_general3A_45 = arith.constant dense<0.000000e+00> : vector<2000x16xf32>
    %dot_general3A_46 = tpu.matmul %add3A_39, %get3A_44, %dot_general3A_45 {dimension_numbers = #tpu.dot_dimension_numbers<[1], [0], [0], [1], [0, 0, 1, 1], [], []>, transpose_lhs_hint = false} : vector<2000x8xf32>, vector<8x16xf32>, vector<2000x16xf32> -> vector<2000x16xf32>
    %get3A_47 = arith.constant 0 : index
    %get3A_48 = vector.load %arg9[%get3A_47] : memref<16xf32, #tpu.memory_space<vmem>>, vector<16xf32>
    %broadcast_in_dim3A_49 = vector.shape_cast %get3A_48 : vector<16xf32> to vector<1x16xf32>
    %add3A_50 = vector.broadcast %broadcast_in_dim3A_49 : vector<1x16xf32> to vector<2000x16xf32>
    %add3A_51 = arith.addf %dot_general3A_46, %add3A_50 : vector<2000x16xf32>
    %max3A_52 = arith.constant 0.000000e+00 : f32
    %max3A_53 = vector.broadcast %max3A_52 : f32 to vector<2000x16xf32>
    %max3A_54 = arith.maximumf %add3A_51, %max3A_53 : vector<2000x16xf32>
    %get3A_55 = arith.constant 0 : index
    %get3A_56 = arith.constant 0 : index
    %get3A_57 = vector.load %arg10[%get3A_55, %get3A_56] : memref<16x8xf32, #tpu.memory_space<vmem>>, vector<16x8xf32>
    %dot_general3A_58 = arith.constant dense<0.000000e+00> : vector<2000x8xf32>
    %dot_general3A_59 = tpu.matmul %max3A_54, %get3A_57, %dot_general3A_58 {dimension_numbers = #tpu.dot_dimension_numbers<[1], [0], [0], [1], [0, 0, 1, 1], [], []>, transpose_lhs_hint = false} : vector<2000x16xf32>, vector<16x8xf32>, vector<2000x8xf32> -> vector<2000x8xf32>
    %get3A_60 = arith.constant 0 : index
    %get3A_61 = vector.load %arg11[%get3A_60] : memref<8xf32, #tpu.memory_space<vmem>>, vector<8xf32>
    %broadcast_in_dim3A_62 = vector.shape_cast %get3A_61 : vector<8xf32> to vector<1x8xf32>
    %add3A_63 = vector.broadcast %broadcast_in_dim3A_62 : vector<1x8xf32> to vector<2000x8xf32>
    %add3A_64 = arith.addf %dot_general3A_59, %add3A_63 : vector<2000x8xf32>
    %max3A_65 = arith.constant 0.000000e+00 : f32
    %max3A_66 = vector.broadcast %max3A_65 : f32 to vector<2000x8xf32>
    %max3A_67 = arith.maximumf %add3A_64, %max3A_66 : vector<2000x8xf32>
    %get3A_68 = arith.constant 0 : index
    %get3A_69 = arith.constant 0 : index
    %get3A_70 = vector.load %arg12[%get3A_68, %get3A_69] : memref<8x8xf32, #tpu.memory_space<vmem>>, vector<8x8xf32>
    %dot_general3A_71 = arith.constant dense<0.000000e+00> : vector<2000x8xf32>
    %dot_general3A_72 = tpu.matmul %max3A_67, %get3A_70, %dot_general3A_71 {dimension_numbers = #tpu.dot_dimension_numbers<[1], [0], [0], [1], [0, 0, 1, 1], [], []>, transpose_lhs_hint = false} : vector<2000x8xf32>, vector<8x8xf32>, vector<2000x8xf32> -> vector<2000x8xf32>
    %get3A_73 = arith.constant 0 : index
    %get3A_74 = vector.load %arg13[%get3A_73] : memref<8xf32, #tpu.memory_space<vmem>>, vector<8xf32>
    %broadcast_in_dim3A_75 = vector.shape_cast %get3A_74 : vector<8xf32> to vector<1x8xf32>
    %add3A_76 = vector.broadcast %broadcast_in_dim3A_75 : vector<1x8xf32> to vector<2000x8xf32>
    %add3A_77 = arith.addf %dot_general3A_72, %add3A_76 : vector<2000x8xf32>
    %jit3A = arith.constant 0 : i32
    %convert_element_type3A = arith.sitofp %jit3A : i32 to f32
    %pad3A = vector.broadcast %convert_element_type3A : f32 to vector<2000x8xf32>
    %pad3A_78 = tpu.concatenate %add3A_77, %pad3A in 1 : vector<2000x8xf32>, vector<2000x8xf32> -> vector<2000x16xf32>
    %swap3A_79 = arith.constant 0 : index
    %swap3A_80 = arith.constant 0 : index
    %swap3A_81 = vector.load %arg17[%swap3A_79, %swap3A_80] : memref<2000x16xf32, #tpu.memory_space<vmem>>, vector<2000x16xf32>
    tpu.vector_store %arg17[%swap3A_79, %swap3A_80], %pad3A_78 {strides = array<i32>} : memref<2000x16xf32, #tpu.memory_space<vmem>>, vector<2000x16xf32>,
    %slice3A_82 = vector.extract_strided_slice %dot_general3A_11 {offsets = [0, 16], sizes = [2000, 16], strides = [1, 1]} : vector<2000x48xf32> to vector<2000x16xf32>
    %swap3A_83 = arith.constant 0 : index
    %swap3A_84 = arith.constant 0 : index
    %swap3A_85 = vector.load %arg18[%swap3A_83, %swap3A_84] : memref<2000x16xf32, #tpu.memory_space<vmem>>, vector<2000x16xf32>
    tpu.vector_store %arg18[%swap3A_83, %swap3A_84], %slice3A_82 {strides = array<i32>} : memref<2000x16xf32, #tpu.memory_space<vmem>>, vector<2000x16xf32>,
    %slice3A_86 = vector.extract_strided_slice %dot_general3A_11 {offsets = [0, 32], sizes = [2000, 16], strides = [1, 1]} : vector<2000x48xf32> to vector<2000x16xf32>
    %swap3A_87 = arith.constant 0 : index
    %swap3A_88 = arith.constant 0 : index
    %swap3A_89 = vector.load %arg19[%swap3A_87, %swap3A_88] : memref<2000x16xf32, #tpu.memory_space<vmem>>, vector<2000x16xf32>
    tpu.vector_store %arg19[%swap3A_87, %swap3A_88], %slice3A_86 {strides = array<i32>} : memref<2000x16xf32, #tpu.memory_space<vmem>>, vector<2000x16xf32>,
    %reshape3A = vector.shape_cast %get3A_1 : vector<2000x128xf32> to vector<20x100x128xf32>
    %slice3A_90 = vector.extract_strided_slice %reshape3A {offsets = [0, 0, 0], sizes = [20, 1, 8], strides = [1, 1, 1]} : vector<20x100x128xf32> to vector<20x1x8xf32>
    %squeeze3A = vector.shape_cast %slice3A_90 : vector<20x1x8xf32> to vector<20x8xf32>
    %mul3A = arith.constant 20 : i32
    %mul3A_91 = arith.muli %arg0, %mul3A : i32
    %swap3A_92 = arith.index_cast %mul3A_91 : i32 to index
    %swap3A_93 = arith.constant 0 : index
    %swap3A_94 = vector.load %arg20[%swap3A_92, %swap3A_93] : memref<100x8xf32, #tpu.memory_space<vmem>>, vector<20x8xf32>
    tpu.vector_store %arg20[%swap3A_92, %swap3A_93], %squeeze3A {strides = array<i32>} : memref<100x8xf32, #tpu.memory_space<vmem>>, vector<20x8xf32>,
    return
  }
  func.func @transform_0(%arg0: i32) -> (i32, i32) {
    %c0_i32 = arith.constant 0 : i32
    %c0_i32_0 = arith.constant 0 : i32
    return %arg0, %c0_i32 : i32, i32
  }
  func.func @transform_1(%arg0: i32) -> (i32, i32) {
    %c0_i32 = arith.constant 0 : i32
    %c0_i32_0 = arith.constant 0 : i32
    %c0_i32_1 = arith.constant 0 : i32
    return %c0_i32, %c0_i32_0 : i32, i32
  }
  func.func @transform_2(%arg0: i32) -> i32 {
    %c0_i32 = arith.constant 0 : i32
    %c0_i32_0 = arith.constant 0 : i32
    return %c0_i32 : i32
  }
  func.func @transform_3(%arg0: i32) -> (i32, i32) {
    %c0_i32 = arith.constant 0 : i32
    %c0_i32_0 = arith.constant 0 : i32
    %c0_i32_1 = arith.constant 0 : i32
    return %c0_i32, %c0_i32_0 : i32, i32
  }
  func.func @transform_4(%arg0: i32) -> i32 {
    %c0_i32 = arith.constant 0 : i32
    %c0_i32_0 = arith.constant 0 : i32
    return %c0_i32 : i32
  }
  func.func @transform_5(%arg0: i32) -> (i32, i32) {
    %c0_i32 = arith.constant 0 : i32
    %c0_i32_0 = arith.constant 0 : i32
    %c0_i32_1 = arith.constant 0 : i32
    return %c0_i32, %c0_i32_0 : i32, i32
  }
  func.func @transform_6(%arg0: i32) -> i32 {
    %c0_i32 = arith.constant 0 : i32
    %c0_i32_0 = arith.constant 0 : i32
    return %c0_i32 : i32
  }
  func.func @transform_7(%arg0: i32) -> (i32, i32) {
    %c0_i32 = arith.constant 0 : i32
    %c0_i32_0 = arith.constant 0 : i32
    %c0_i32_1 = arith.constant 0 : i32
    return %c0_i32, %c0_i32_0 : i32, i32
  }
  func.func @transform_8(%arg0: i32) -> i32 {
    %c0_i32 = arith.constant 0 : i32
    %c0_i32_0 = arith.constant 0 : i32
    return %c0_i32 : i32
  }
  func.func @transform_9(%arg0: i32) -> (i32, i32) {
    %c0_i32 = arith.constant 0 : i32
    %c0_i32_0 = arith.constant 0 : i32
    %c0_i32_1 = arith.constant 0 : i32
    return %c0_i32, %c0_i32_0 : i32, i32
  }
  func.func @transform_10(%arg0: i32) -> i32 {
    %c0_i32 = arith.constant 0 : i32
    %c0_i32_0 = arith.constant 0 : i32
    return %c0_i32 : i32
  }
  func.func @transform_11(%arg0: i32) -> (i32, i32) {
    %c0_i32 = arith.constant 0 : i32
    %c0_i32_0 = arith.constant 0 : i32
    %c0_i32_1 = arith.constant 0 : i32
    return %c0_i32, %c0_i32_0 : i32, i32
  }
  func.func @transform_12(%arg0: i32) -> i32 {
    %c0_i32 = arith.constant 0 : i32
    %c0_i32_0 = arith.constant 0 : i32
    return %c0_i32 : i32
  }
  func.func @transform_13(%arg0: i32) -> (i32, i32) {
    %c0_i32 = arith.constant 0 : i32
    %c0_i32_0 = arith.constant 0 : i32
    %c0_i32_1 = arith.constant 0 : i32
    return %c0_i32, %c0_i32_0 : i32, i32
  }
  func.func @transform_14(%arg0: i32) -> (i32, i32) {
    %c0_i32 = arith.constant 0 : i32
    %c0_i32_0 = arith.constant 0 : i32
    %c0_i32_1 = arith.constant 0 : i32
    return %c0_i32, %c0_i32_0 : i32, i32
  }
  func.func @transform_15(%arg0: i32) -> (i32, i32) {
    %c0_i32 = arith.constant 0 : i32
    %c0_i32_0 = arith.constant 0 : i32
    return %arg0, %c0_i32 : i32, i32
  }
  func.func @transform_16(%arg0: i32) -> (i32, i32) {
    %c0_i32 = arith.constant 0 : i32
    %c0_i32_0 = arith.constant 0 : i32
    return %arg0, %c0_i32 : i32, i32
  }
  func.func @transform_17(%arg0: i32) -> (i32, i32) {
    %c0_i32 = arith.constant 0 : i32
    %c0_i32_0 = arith.constant 0 : i32
    return %arg0, %c0_i32 : i32, i32
  }
  func.func @transform_18(%arg0: i32) -> (i32, i32) {
    %c0_i32 = arith.constant 0 : i32
    %c0_i32_0 = arith.constant 0 : i32
    return %arg0, %c0_i32 : i32, i32
  }
  func.func @transform_19(%arg0: i32) -> (i32, i32) {
    %c0_i32 = arith.constant 0 : i32
    %c0_i32_0 = arith.constant 0 : i32
    %c0_i32_1 = arith.constant 0 : i32
    return %c0_i32, %c0_i32_0 : i32, i32
  }
}

module attributes {stable_mosaic.version = 14 : i64} {
  func.func @_stage_c_body(%arg0: memref<2x10112x16xf32, #tpu.memory_space<vmem>>, %arg1: memref<10000x8xf32, #tpu.memory_space<vmem>>, %arg2: memref<10000x16xf32, #tpu.memory_space<vmem>>, %arg3: memref<10000x16xf32, #tpu.memory_space<vmem>>, %arg4: memref<100x8xf32, #tpu.memory_space<vmem>>, %arg5: memref<8x16xf32, #tpu.memory_space<vmem>>, %arg6: memref<16xf32, #tpu.memory_space<vmem>>, %arg7: memref<16x8xf32, #tpu.memory_space<vmem>>, %arg8: memref<8xf32, #tpu.memory_space<vmem>>, %arg9: memref<8x8xf32, #tpu.memory_space<vmem>>, %arg10: memref<8xf32, #tpu.memory_space<vmem>>, %arg11: memref<136x16xf32, #tpu.memory_space<vmem>>, %arg12: memref<16xf32, #tpu.memory_space<vmem>>, %arg13: memref<16x8xf32, #tpu.memory_space<vmem>>, %arg14: memref<8xf32, #tpu.memory_space<vmem>>, %arg15: memref<8x8xf32, #tpu.memory_space<vmem>>, %arg16: memref<8xf32, #tpu.memory_space<vmem>>, %arg17: memref<8x16xf32, #tpu.memory_space<vmem>>, %arg18: memref<16xf32, #tpu.memory_space<vmem>>, %arg19: memref<16x8xf32, #tpu.memory_space<vmem>>, %arg20: memref<8xf32, #tpu.memory_space<vmem>>, %arg21: memref<8x8xf32, #tpu.memory_space<vmem>>, %arg22: memref<8xf32, #tpu.memory_space<vmem>>, %arg23: memref<152x16xf32, #tpu.memory_space<vmem>>, %arg24: memref<16xf32, #tpu.memory_space<vmem>>, %arg25: memref<16x8xf32, #tpu.memory_space<vmem>>, %arg26: memref<8xf32, #tpu.memory_space<vmem>>, %arg27: memref<8x1xf32, #tpu.memory_space<vmem>>, %arg28: memref<1xf32, #tpu.memory_space<vmem>>, %arg29: memref<25x16xf32, #tpu.memory_space<vmem>>, %arg30: memref<16xf32, #tpu.memory_space<vmem>>, %arg31: memref<16x8xf32, #tpu.memory_space<vmem>>, %arg32: memref<8xf32, #tpu.memory_space<vmem>>, %arg33: memref<8x1xf32, #tpu.memory_space<vmem>>, %arg34: memref<1xf32, #tpu.memory_space<vmem>>, %arg35: memref<10000x1xf32, #tpu.memory_space<vmem>>, %arg36: memref<5000x1xf32, #tpu.memory_space<vmem>>) attributes {dimension_semantics = [], scalar_prefetch = 0 : i64, scratch_operands = 0 : i64, tpu.core_type = #tpu.core_type<tc>} {
    %get3A = arith.constant 0 : index
    %get3A_0 = arith.constant 0 : index
    %get3A_1 = arith.constant 0 : index
    %get3A_2 = vector.load %arg0[%get3A, %get3A_0, %get3A_1] : memref<2x10112x16xf32, #tpu.memory_space<vmem>>, vector<1x10000x8xf32>
    %get3A_3 = vector.shape_cast %get3A_2 : vector<1x10000x8xf32> to vector<10000x8xf32>
    %get3A_4 = arith.constant 1 : index
    %get3A_5 = arith.constant 0 : index
    %get3A_6 = arith.constant 0 : index
    %get3A_7 = vector.load %arg0[%get3A_4, %get3A_5, %get3A_6] : memref<2x10112x16xf32, #tpu.memory_space<vmem>>, vector<1x10000x8xf32>
    %get3A_8 = vector.shape_cast %get3A_7 : vector<1x10000x8xf32> to vector<10000x8xf32>
    %add3A = arith.addf %get3A_3, %get3A_8 : vector<10000x8xf32>
    %get3A_9 = arith.constant 0 : index
    %get3A_10 = arith.constant 0 : index
    %get3A_11 = vector.load %arg5[%get3A_9, %get3A_10] : memref<8x16xf32, #tpu.memory_space<vmem>>, vector<8x16xf32>
    %dot_general3A = arith.constant dense<0.000000e+00> : vector<10000x16xf32>
    %dot_general3A_12 = tpu.matmul %add3A, %get3A_11, %dot_general3A {dimension_numbers = #tpu.dot_dimension_numbers<[1], [0], [0], [1], [0, 0, 1, 1], [], []>, transpose_lhs_hint = false} : vector<10000x8xf32>, vector<8x16xf32>, vector<10000x16xf32> -> vector<10000x16xf32>
    %get3A_13 = arith.constant 0 : index
    %get3A_14 = vector.load %arg6[%get3A_13] : memref<16xf32, #tpu.memory_space<vmem>>, vector<16xf32>
    %broadcast_in_dim3A = vector.shape_cast %get3A_14 : vector<16xf32> to vector<1x16xf32>
    %add3A_15 = vector.broadcast %broadcast_in_dim3A : vector<1x16xf32> to vector<10000x16xf32>
    %add3A_16 = arith.addf %dot_general3A_12, %add3A_15 : vector<10000x16xf32>
    %max3A = arith.constant 0.000000e+00 : f32
    %max3A_17 = vector.broadcast %max3A : f32 to vector<10000x16xf32>
    %max3A_18 = arith.maximumf %add3A_16, %max3A_17 : vector<10000x16xf32>
    %get3A_19 = arith.constant 0 : index
    %get3A_20 = arith.constant 0 : index
    %get3A_21 = vector.load %arg7[%get3A_19, %get3A_20] : memref<16x8xf32, #tpu.memory_space<vmem>>, vector<16x8xf32>
    %dot_general3A_22 = arith.constant dense<0.000000e+00> : vector<10000x8xf32>
    %dot_general3A_23 = tpu.matmul %max3A_18, %get3A_21, %dot_general3A_22 {dimension_numbers = #tpu.dot_dimension_numbers<[1], [0], [0], [1], [0, 0, 1, 1], [], []>, transpose_lhs_hint = false} : vector<10000x16xf32>, vector<16x8xf32>, vector<10000x8xf32> -> vector<10000x8xf32>
    %get3A_24 = arith.constant 0 : index
    %get3A_25 = vector.load %arg8[%get3A_24] : memref<8xf32, #tpu.memory_space<vmem>>, vector<8xf32>
    %broadcast_in_dim3A_26 = vector.shape_cast %get3A_25 : vector<8xf32> to vector<1x8xf32>
    %add3A_27 = vector.broadcast %broadcast_in_dim3A_26 : vector<1x8xf32> to vector<10000x8xf32>
    %add3A_28 = arith.addf %dot_general3A_23, %add3A_27 : vector<10000x8xf32>
    %max3A_29 = arith.constant 0.000000e+00 : f32
    %max3A_30 = vector.broadcast %max3A_29 : f32 to vector<10000x8xf32>
    %max3A_31 = arith.maximumf %add3A_28, %max3A_30 : vector<10000x8xf32>
    %get3A_32 = arith.constant 0 : index
    %get3A_33 = arith.constant 0 : index
    %get3A_34 = vector.load %arg1[%get3A_32, %get3A_33] : memref<10000x8xf32, #tpu.memory_space<vmem>>, vector<10000x8xf32>
    %get3A_35 = arith.constant 0 : index
    %get3A_36 = arith.constant 0 : index
    %get3A_37 = vector.load %arg9[%get3A_35, %get3A_36] : memref<8x8xf32, #tpu.memory_space<vmem>>, vector<8x8xf32>
    %dot_general3A_38 = arith.constant dense<0.000000e+00> : vector<10000x8xf32>
    %dot_general3A_39 = tpu.matmul %max3A_31, %get3A_37, %dot_general3A_38 {dimension_numbers = #tpu.dot_dimension_numbers<[1], [0], [0], [1], [0, 0, 1, 1], [], []>, transpose_lhs_hint = false} : vector<10000x8xf32>, vector<8x8xf32>, vector<10000x8xf32> -> vector<10000x8xf32>
    %get3A_40 = arith.constant 0 : index
    %get3A_41 = vector.load %arg10[%get3A_40] : memref<8xf32, #tpu.memory_space<vmem>>, vector<8xf32>
    %broadcast_in_dim3A_42 = vector.shape_cast %get3A_41 : vector<8xf32> to vector<1x8xf32>
    %add3A_43 = vector.broadcast %broadcast_in_dim3A_42 : vector<1x8xf32> to vector<10000x8xf32>
    %add3A_44 = arith.addf %dot_general3A_39, %add3A_43 : vector<10000x8xf32>
    %add3A_45 = arith.addf %get3A_34, %add3A_44 : vector<10000x8xf32>
    %get3A_46 = arith.constant 128 : index
    %get3A_47 = arith.constant 0 : index
    %get3A_48 = vector.load %arg11[%get3A_46, %get3A_47] : memref<136x16xf32, #tpu.memory_space<vmem>>, vector<8x16xf32>
    %get3A_49 = arith.constant 128 : index
    %get3A_50 = arith.constant 0 : index
    %get3A_51 = vector.load %arg23[%get3A_49, %get3A_50] : memref<152x16xf32, #tpu.memory_space<vmem>>, vector<8x16xf32>
    %concatenate3A = tpu.concatenate %get3A_48, %get3A_51 in 1 : vector<8x16xf32>, vector<8x16xf32> -> vector<8x32xf32>
    %dot_general3A_52 = arith.constant dense<0.000000e+00> : vector<10000x32xf32>
    %dot_general3A_53 = tpu.matmul %add3A_45, %concatenate3A, %dot_general3A_52 {dimension_numbers = #tpu.dot_dimension_numbers<[1], [0], [0], [1], [0, 0, 1, 1], [], []>, transpose_lhs_hint = false} : vector<10000x8xf32>, vector<8x32xf32>, vector<10000x32xf32> -> vector<10000x32xf32>
    %get3A_54 = arith.constant 0 : index
    %get3A_55 = arith.constant 0 : index
    %get3A_56 = vector.load %arg2[%get3A_54, %get3A_55] : memref<10000x16xf32, #tpu.memory_space<vmem>>, vector<10000x16xf32>
    %slice3A = vector.extract_strided_slice %dot_general3A_53 {offsets = [0, 0], sizes = [10000, 16], strides = [1, 1]} : vector<10000x32xf32> to vector<10000x16xf32>
    %add3A_57 = arith.addf %get3A_56, %slice3A : vector<10000x16xf32>
    %get3A_58 = arith.constant 0 : index
    %get3A_59 = vector.load %arg12[%get3A_58] : memref<16xf32, #tpu.memory_space<vmem>>, vector<16xf32>
    %broadcast_in_dim3A_60 = vector.shape_cast %get3A_59 : vector<16xf32> to vector<1x16xf32>
    %add3A_61 = vector.broadcast %broadcast_in_dim3A_60 : vector<1x16xf32> to vector<10000x16xf32>
    %add3A_62 = arith.addf %add3A_57, %add3A_61 : vector<10000x16xf32>
    %max3A_63 = arith.constant 0.000000e+00 : f32
    %max3A_64 = vector.broadcast %max3A_63 : f32 to vector<10000x16xf32>
    %max3A_65 = arith.maximumf %add3A_62, %max3A_64 : vector<10000x16xf32>
    %get3A_66 = arith.constant 0 : index
    %get3A_67 = arith.constant 0 : index
    %get3A_68 = vector.load %arg13[%get3A_66, %get3A_67] : memref<16x8xf32, #tpu.memory_space<vmem>>, vector<16x8xf32>
    %dot_general3A_69 = arith.constant dense<0.000000e+00> : vector<10000x8xf32>
    %dot_general3A_70 = tpu.matmul %max3A_65, %get3A_68, %dot_general3A_69 {dimension_numbers = #tpu.dot_dimension_numbers<[1], [0], [0], [1], [0, 0, 1, 1], [], []>, transpose_lhs_hint = false} : vector<10000x16xf32>, vector<16x8xf32>, vector<10000x8xf32> -> vector<10000x8xf32>
    %get3A_71 = arith.constant 0 : index
    %get3A_72 = vector.load %arg14[%get3A_71] : memref<8xf32, #tpu.memory_space<vmem>>, vector<8xf32>
    %broadcast_in_dim3A_73 = vector.shape_cast %get3A_72 : vector<8xf32> to vector<1x8xf32>
    %add3A_74 = vector.broadcast %broadcast_in_dim3A_73 : vector<1x8xf32> to vector<10000x8xf32>
    %add3A_75 = arith.addf %dot_general3A_70, %add3A_74 : vector<10000x8xf32>
    %max3A_76 = arith.constant 0.000000e+00 : f32
    %max3A_77 = vector.broadcast %max3A_76 : f32 to vector<10000x8xf32>
    %max3A_78 = arith.maximumf %add3A_75, %max3A_77 : vector<10000x8xf32>
    %get3A_79 = arith.constant 0 : index
    %get3A_80 = arith.constant 0 : index
    %get3A_81 = vector.load %arg15[%get3A_79, %get3A_80] : memref<8x8xf32, #tpu.memory_space<vmem>>, vector<8x8xf32>
    %dot_general3A_82 = arith.constant dense<0.000000e+00> : vector<10000x8xf32>
    %dot_general3A_83 = tpu.matmul %max3A_78, %get3A_81, %dot_general3A_82 {dimension_numbers = #tpu.dot_dimension_numbers<[1], [0], [0], [1], [0, 0, 1, 1], [], []>, transpose_lhs_hint = false} : vector<10000x8xf32>, vector<8x8xf32>, vector<10000x8xf32> -> vector<10000x8xf32>
    %get3A_84 = arith.constant 0 : index
    %get3A_85 = vector.load %arg16[%get3A_84] : memref<8xf32, #tpu.memory_space<vmem>>, vector<8xf32>
    %broadcast_in_dim3A_86 = vector.shape_cast %get3A_85 : vector<8xf32> to vector<1x8xf32>
    %add3A_87 = vector.broadcast %broadcast_in_dim3A_86 : vector<1x8xf32> to vector<10000x8xf32>
    %add3A_88 = arith.addf %dot_general3A_83, %add3A_87 : vector<10000x8xf32>
    %reshape3A = vector.shape_cast %add3A_88 : vector<10000x8xf32> to vector<100x100x8xf32>
    %reduce_sum3A = arith.constant dense<0.000000e+00> : vector<100x8xf32>
    %reduce_sum3A_89 = vector.multi_reduction <add>, %reshape3A, %reduce_sum3A [1] : vector<100x100x8xf32> to vector<100x8xf32>
    %get3A_90 = arith.constant 0 : index
    %get3A_91 = arith.constant 0 : index
    %get3A_92 = vector.load %arg17[%get3A_90, %get3A_91] : memref<8x16xf32, #tpu.memory_space<vmem>>, vector<8x16xf32>
    %dot_general3A_93 = arith.constant dense<0.000000e+00> : vector<100x16xf32>
    %dot_general3A_94 = tpu.matmul %reduce_sum3A_89, %get3A_92, %dot_general3A_93 {dimension_numbers = #tpu.dot_dimension_numbers<[1], [0], [0], [1], [0, 0, 1, 1], [], []>, transpose_lhs_hint = false} : vector<100x8xf32>, vector<8x16xf32>, vector<100x16xf32> -> vector<100x16xf32>
    %get3A_95 = arith.constant 0 : index
    %get3A_96 = vector.load %arg18[%get3A_95] : memref<16xf32, #tpu.memory_space<vmem>>, vector<16xf32>
    %broadcast_in_dim3A_97 = vector.shape_cast %get3A_96 : vector<16xf32> to vector<1x16xf32>
    %add3A_98 = vector.broadcast %broadcast_in_dim3A_97 : vector<1x16xf32> to vector<100x16xf32>
    %add3A_99 = arith.addf %dot_general3A_94, %add3A_98 : vector<100x16xf32>
    %max3A_100 = arith.constant 0.000000e+00 : f32
    %max3A_101 = vector.broadcast %max3A_100 : f32 to vector<100x16xf32>
    %max3A_102 = arith.maximumf %add3A_99, %max3A_101 : vector<100x16xf32>
    %get3A_103 = arith.constant 0 : index
    %get3A_104 = arith.constant 0 : index
    %get3A_105 = vector.load %arg19[%get3A_103, %get3A_104] : memref<16x8xf32, #tpu.memory_space<vmem>>, vector<16x8xf32>
    %dot_general3A_106 = arith.constant dense<0.000000e+00> : vector<100x8xf32>
    %dot_general3A_107 = tpu.matmul %max3A_102, %get3A_105, %dot_general3A_106 {dimension_numbers = #tpu.dot_dimension_numbers<[1], [0], [0], [1], [0, 0, 1, 1], [], []>, transpose_lhs_hint = false} : vector<100x16xf32>, vector<16x8xf32>, vector<100x8xf32> -> vector<100x8xf32>
    %get3A_108 = arith.constant 0 : index
    %get3A_109 = vector.load %arg20[%get3A_108] : memref<8xf32, #tpu.memory_space<vmem>>, vector<8xf32>
    %broadcast_in_dim3A_110 = vector.shape_cast %get3A_109 : vector<8xf32> to vector<1x8xf32>
    %add3A_111 = vector.broadcast %broadcast_in_dim3A_110 : vector<1x8xf32> to vector<100x8xf32>
    %add3A_112 = arith.addf %dot_general3A_107, %add3A_111 : vector<100x8xf32>
    %max3A_113 = arith.constant 0.000000e+00 : f32
    %max3A_114 = vector.broadcast %max3A_113 : f32 to vector<100x8xf32>
    %max3A_115 = arith.maximumf %add3A_112, %max3A_114 : vector<100x8xf32>
    %get3A_116 = arith.constant 0 : index
    %get3A_117 = arith.constant 0 : index
    %get3A_118 = vector.load %arg21[%get3A_116, %get3A_117] : memref<8x8xf32, #tpu.memory_space<vmem>>, vector<8x8xf32>
    %dot_general3A_119 = arith.constant dense<0.000000e+00> : vector<100x8xf32>
    %dot_general3A_120 = tpu.matmul %max3A_115, %get3A_118, %dot_general3A_119 {dimension_numbers = #tpu.dot_dimension_numbers<[1], [0], [0], [1], [0, 0, 1, 1], [], []>, transpose_lhs_hint = false} : vector<100x8xf32>, vector<8x8xf32>, vector<100x8xf32> -> vector<100x8xf32>
    %get3A_121 = arith.constant 0 : index
    %get3A_122 = vector.load %arg22[%get3A_121] : memref<8xf32, #tpu.memory_space<vmem>>, vector<8xf32>
    %broadcast_in_dim3A_123 = vector.shape_cast %get3A_122 : vector<8xf32> to vector<1x8xf32>
    %add3A_124 = vector.broadcast %broadcast_in_dim3A_123 : vector<1x8xf32> to vector<100x8xf32>
    %add3A_125 = arith.addf %dot_general3A_120, %add3A_124 : vector<100x8xf32>
    %reduce_sum3A_126 = arith.constant dense<0.000000e+00> : vector<8xf32>
    %reduce_sum3A_127 = vector.multi_reduction <add>, %add3A_125, %reduce_sum3A_126 [0] : vector<100x8xf32> to vector<8xf32>
    %broadcast_in_dim3A_128 = vector.shape_cast %reduce_sum3A_127 : vector<8xf32> to vector<1x8xf32>
    %get3A_129 = arith.constant 136 : index
    %get3A_130 = arith.constant 0 : index
    %get3A_131 = vector.load %arg23[%get3A_129, %get3A_130] : memref<152x16xf32, #tpu.memory_space<vmem>>, vector<8x16xf32>
    %dot_general3A_132 = arith.constant dense<0.000000e+00> : vector<100x16xf32>
    %dot_general3A_133 = tpu.matmul %reduce_sum3A_89, %get3A_131, %dot_general3A_132 {dimension_numbers = #tpu.dot_dimension_numbers<[1], [0], [0], [1], [0, 0, 1, 1], [], []>, transpose_lhs_hint = false} : vector<100x8xf32>, vector<8x16xf32>, vector<100x16xf32> -> vector<100x16xf32>
    %broadcast_in_dim3A_134 = vector.shape_cast %dot_general3A_133 : vector<100x16xf32> to vector<100x1x16xf32>
    %broadcast_in_dim3A_135 = vector.shape_cast %broadcast_in_dim3A_134 : vector<100x1x16xf32> to vector<100x1x16xf32>
    %broadcast_in_dim3A_136 = vector.broadcast %broadcast_in_dim3A_135 : vector<100x1x16xf32> to vector<100x100x16xf32>
    %reshape3A_137 = vector.shape_cast %broadcast_in_dim3A_136 : vector<100x100x16xf32> to vector<10000x16xf32>
    %get3A_138 = arith.constant 0 : index
    %get3A_139 = arith.constant 0 : index
    %get3A_140 = vector.load %arg3[%get3A_138, %get3A_139] : memref<10000x16xf32, #tpu.memory_space<vmem>>, vector<10000x16xf32>
    %slice3A_141 = vector.extract_strided_slice %dot_general3A_53 {offsets = [0, 16], sizes = [10000, 16], strides = [1, 1]} : vector<10000x32xf32> to vector<10000x16xf32>
    %add3A_142 = arith.addf %get3A_140, %slice3A_141 : vector<10000x16xf32>
    %add3A_143 = arith.addf %add3A_142, %reshape3A_137 : vector<10000x16xf32>
    %get3A_144 = arith.constant 144 : index
    %get3A_145 = arith.constant 0 : index
    %get3A_146 = vector.load %arg23[%get3A_144, %get3A_145] : memref<152x16xf32, #tpu.memory_space<vmem>>, vector<8x16xf32>
    %dot_general3A_147 = arith.constant dense<0.000000e+00> : vector<1x16xf32>
    %dot_general3A_148 = tpu.matmul %broadcast_in_dim3A_128, %get3A_146, %dot_general3A_147 {dimension_numbers = #tpu.dot_dimension_numbers<[1], [0], [0], [1], [0, 0, 1, 1], [], []>, transpose_lhs_hint = false} : vector<1x8xf32>, vector<8x16xf32>, vector<1x16xf32> -> vector<1x16xf32>
    %add3A_149 = vector.broadcast %dot_general3A_148 : vector<1x16xf32> to vector<10000x16xf32>
    %add3A_150 = arith.addf %add3A_143, %add3A_149 : vector<10000x16xf32>
    %get3A_151 = arith.constant 0 : index
    %get3A_152 = vector.load %arg24[%get3A_151] : memref<16xf32, #tpu.memory_space<vmem>>, vector<16xf32>
    %broadcast_in_dim3A_153 = vector.shape_cast %get3A_152 : vector<16xf32> to vector<1x16xf32>
    %add3A_154 = vector.broadcast %broadcast_in_dim3A_153 : vector<1x16xf32> to vector<10000x16xf32>
    %add3A_155 = arith.addf %add3A_150, %add3A_154 : vector<10000x16xf32>
    %max3A_156 = arith.constant 0.000000e+00 : f32
    %max3A_157 = vector.broadcast %max3A_156 : f32 to vector<10000x16xf32>
    %max3A_158 = arith.maximumf %add3A_155, %max3A_157 : vector<10000x16xf32>
    %get3A_159 = arith.constant 0 : index
    %get3A_160 = arith.constant 0 : index
    %get3A_161 = vector.load %arg25[%get3A_159, %get3A_160] : memref<16x8xf32, #tpu.memory_space<vmem>>, vector<16x8xf32>
    %dot_general3A_162 = arith.constant dense<0.000000e+00> : vector<10000x8xf32>
    %dot_general3A_163 = tpu.matmul %max3A_158, %get3A_161, %dot_general3A_162 {dimension_numbers = #tpu.dot_dimension_numbers<[1], [0], [0], [1], [0, 0, 1, 1], [], []>, transpose_lhs_hint = false} : vector<10000x16xf32>, vector<16x8xf32>, vector<10000x8xf32> -> vector<10000x8xf32>
    %get3A_164 = arith.constant 0 : index
    %get3A_165 = vector.load %arg26[%get3A_164] : memref<8xf32, #tpu.memory_space<vmem>>, vector<8xf32>
    %broadcast_in_dim3A_166 = vector.shape_cast %get3A_165 : vector<8xf32> to vector<1x8xf32>
    %add3A_167 = vector.broadcast %broadcast_in_dim3A_166 : vector<1x8xf32> to vector<10000x8xf32>
    %add3A_168 = arith.addf %dot_general3A_163, %add3A_167 : vector<10000x8xf32>
    %max3A_169 = arith.constant 0.000000e+00 : f32
    %max3A_170 = vector.broadcast %max3A_169 : f32 to vector<10000x8xf32>
    %max3A_171 = arith.maximumf %add3A_168, %max3A_170 : vector<10000x8xf32>
    %get3A_172 = arith.constant 0 : index
    %get3A_173 = arith.constant 0 : index
    %get3A_174 = vector.load %arg27[%get3A_172, %get3A_173] : memref<8x1xf32, #tpu.memory_space<vmem>>, vector<8x1xf32>
    %dot_general3A_175 = arith.constant dense<0.000000e+00> : vector<10000x1xf32>
    %dot_general3A_176 = tpu.matmul %max3A_171, %get3A_174, %dot_general3A_175 {dimension_numbers = #tpu.dot_dimension_numbers<[1], [0], [0], [1], [0, 0, 1, 1], [], []>, transpose_lhs_hint = false} : vector<10000x8xf32>, vector<8x1xf32>, vector<10000x1xf32> -> vector<10000x1xf32>
    %get3A_177 = arith.constant 0 : index
    %get3A_178 = vector.load %arg28[%get3A_177] : memref<1xf32, #tpu.memory_space<vmem>>, vector<1xf32>
    %broadcast_in_dim3A_179 = vector.shape_cast %get3A_178 : vector<1xf32> to vector<1x1xf32>
    %add3A_180 = vector.broadcast %broadcast_in_dim3A_179 : vector<1x1xf32> to vector<10000x1xf32>
    %add3A_181 = arith.addf %dot_general3A_176, %add3A_180 : vector<10000x1xf32>
    %swap3A = arith.constant 0 : index
    %swap3A_182 = arith.constant 0 : index
    %swap3A_183 = vector.load %arg35[%swap3A, %swap3A_182] : memref<10000x1xf32, #tpu.memory_space<vmem>>, vector<10000x1xf32>
    tpu.vector_store %arg35[%swap3A, %swap3A_182], %add3A_181 {strides = array<i32>} : memref<10000x1xf32, #tpu.memory_space<vmem>>, vector<10000x1xf32>,
    %get3A_184 = arith.constant 0 : index
    %get3A_185 = arith.constant 0 : index
    %get3A_186 = vector.load %arg4[%get3A_184, %get3A_185] : memref<100x8xf32, #tpu.memory_space<vmem>>, vector<100x8xf32>
    %get3A_187 = arith.constant 0 : index
    %get3A_188 = arith.constant 0 : index
    %get3A_189 = vector.load %arg29[%get3A_187, %get3A_188] : memref<25x16xf32, #tpu.memory_space<vmem>>, vector<8x16xf32>
    %dot_general3A_190 = arith.constant dense<0.000000e+00> : vector<100x16xf32>
    %dot_general3A_191 = tpu.matmul %get3A_186, %get3A_189, %dot_general3A_190 {dimension_numbers = #tpu.dot_dimension_numbers<[1], [0], [0], [1], [0, 0, 1, 1], [], []>, transpose_lhs_hint = false} : vector<100x8xf32>, vector<8x16xf32>, vector<100x16xf32> -> vector<100x16xf32>
    %get3A_192 = arith.constant 8 : index
    %get3A_193 = arith.constant 0 : index
    %get3A_194 = vector.load %arg29[%get3A_192, %get3A_193] : memref<25x16xf32, #tpu.memory_space<vmem>>, vector<8x16xf32>
    %dot_general3A_195 = arith.constant dense<0.000000e+00> : vector<100x16xf32>
    %dot_general3A_196 = tpu.matmul %reduce_sum3A_89, %get3A_194, %dot_general3A_195 {dimension_numbers = #tpu.dot_dimension_numbers<[1], [0], [0], [1], [0, 0, 1, 1], [], []>, transpose_lhs_hint = false} : vector<100x8xf32>, vector<8x16xf32>, vector<100x16xf32> -> vector<100x16xf32>
    %add3A_197 = arith.addf %dot_general3A_191, %dot_general3A_196 : vector<100x16xf32>
    %get3A_198 = arith.constant 16 : index
    %get3A_199 = arith.constant 0 : index
    %get3A_200 = vector.load %arg29[%get3A_198, %get3A_199] : memref<25x16xf32, #tpu.memory_space<vmem>>, vector<8x16xf32>
    %dot_general3A_201 = arith.constant dense<0.000000e+00> : vector<1x16xf32>
    %dot_general3A_202 = tpu.matmul %broadcast_in_dim3A_128, %get3A_200, %dot_general3A_201 {dimension_numbers = #tpu.dot_dimension_numbers<[1], [0], [0], [1], [0, 0, 1, 1], [], []>, transpose_lhs_hint = false} : vector<1x8xf32>, vector<8x16xf32>, vector<1x16xf32> -> vector<1x16xf32>
    %iota3A = tpu.iota {dimensions = array<i32: 0>} : vector<50x1xi32>
    %convert_element_type3A = arith.sitofp %iota3A : vector<50x1xi32> to vector<50x1xf32>
    %get3A_203 = arith.constant 24 : index
    %get3A_204 = arith.constant 0 : index
    %get3A_205 = vector.load %arg29[%get3A_203, %get3A_204] : memref<25x16xf32, #tpu.memory_space<vmem>>, vector<1x16xf32>
    %dot_general3A_206 = arith.constant dense<0.000000e+00> : vector<50x16xf32>
    %dot_general3A_207 = tpu.matmul %convert_element_type3A, %get3A_205, %dot_general3A_206 {dimension_numbers = #tpu.dot_dimension_numbers<[1], [0], [0], [1], [0, 0, 1, 1], [], []>, transpose_lhs_hint = false} : vector<50x1xf32>, vector<1x16xf32>, vector<50x16xf32> -> vector<50x16xf32>
    %broadcast_in_dim3A_208 = vector.shape_cast %add3A_197 : vector<100x16xf32> to vector<100x1x16xf32>
    %broadcast_in_dim3A_209 = vector.shape_cast %dot_general3A_207 : vector<50x16xf32> to vector<1x50x16xf32>
    %add3A_210 = vector.broadcast %broadcast_in_dim3A_208 : vector<100x1x16xf32> to vector<100x50x16xf32>
    %add3A_211 = vector.broadcast %broadcast_in_dim3A_209 : vector<1x50x16xf32> to vector<100x50x16xf32>
    %add3A_212 = arith.addf %add3A_210, %add3A_211 : vector<100x50x16xf32>
    %broadcast_in_dim3A_213 = vector.shape_cast %dot_general3A_202 : vector<1x16xf32> to vector<1x1x16xf32>
    %add3A_214 = vector.broadcast %broadcast_in_dim3A_213 : vector<1x1x16xf32> to vector<100x50x16xf32>
    %add3A_215 = arith.addf %add3A_212, %add3A_214 : vector<100x50x16xf32>
    %get3A_216 = arith.constant 0 : index
    %get3A_217 = vector.load %arg30[%get3A_216] : memref<16xf32, #tpu.memory_space<vmem>>, vector<16xf32>
    %broadcast_in_dim3A_218 = vector.shape_cast %get3A_217 : vector<16xf32> to vector<1x1x16xf32>
    %add3A_219 = vector.broadcast %broadcast_in_dim3A_218 : vector<1x1x16xf32> to vector<100x50x16xf32>
    %add3A_220 = arith.addf %add3A_215, %add3A_219 : vector<100x50x16xf32>
    %reshape3A_221 = vector.shape_cast %add3A_220 : vector<100x50x16xf32> to vector<5000x16xf32>
    %max3A_222 = arith.constant 0.000000e+00 : f32
    %max3A_223 = vector.broadcast %max3A_222 : f32 to vector<5000x16xf32>
    %max3A_224 = arith.maximumf %reshape3A_221, %max3A_223 : vector<5000x16xf32>
    %get3A_225 = arith.constant 0 : index
    %get3A_226 = arith.constant 0 : index
    %get3A_227 = vector.load %arg31[%get3A_225, %get3A_226] : memref<16x8xf32, #tpu.memory_space<vmem>>, vector<16x8xf32>
    %dot_general3A_228 = arith.constant dense<0.000000e+00> : vector<5000x8xf32>
    %dot_general3A_229 = tpu.matmul %max3A_224, %get3A_227, %dot_general3A_228 {dimension_numbers = #tpu.dot_dimension_numbers<[1], [0], [0], [1], [0, 0, 1, 1], [], []>, transpose_lhs_hint = false} : vector<5000x16xf32>, vector<16x8xf32>, vector<5000x8xf32> -> vector<5000x8xf32>
    %get3A_230 = arith.constant 0 : index
    %get3A_231 = vector.load %arg32[%get3A_230] : memref<8xf32, #tpu.memory_space<vmem>>, vector<8xf32>
    %broadcast_in_dim3A_232 = vector.shape_cast %get3A_231 : vector<8xf32> to vector<1x8xf32>
    %add3A_233 = vector.broadcast %broadcast_in_dim3A_232 : vector<1x8xf32> to vector<5000x8xf32>
    %add3A_234 = arith.addf %dot_general3A_229, %add3A_233 : vector<5000x8xf32>
    %max3A_235 = arith.constant 0.000000e+00 : f32
    %max3A_236 = vector.broadcast %max3A_235 : f32 to vector<5000x8xf32>
    %max3A_237 = arith.maximumf %add3A_234, %max3A_236 : vector<5000x8xf32>
    %get3A_238 = arith.constant 0 : index
    %get3A_239 = arith.constant 0 : index
    %get3A_240 = vector.load %arg33[%get3A_238, %get3A_239] : memref<8x1xf32, #tpu.memory_space<vmem>>, vector<8x1xf32>
    %dot_general3A_241 = arith.constant dense<0.000000e+00> : vector<5000x1xf32>
    %dot_general3A_242 = tpu.matmul %max3A_237, %get3A_240, %dot_general3A_241 {dimension_numbers = #tpu.dot_dimension_numbers<[1], [0], [0], [1], [0, 0, 1, 1], [], []>, transpose_lhs_hint = false} : vector<5000x8xf32>, vector<8x1xf32>, vector<5000x1xf32> -> vector<5000x1xf32>
    %get3A_243 = arith.constant 0 : index
    %get3A_244 = vector.load %arg34[%get3A_243] : memref<1xf32, #tpu.memory_space<vmem>>, vector<1xf32>
    %broadcast_in_dim3A_245 = vector.shape_cast %get3A_244 : vector<1xf32> to vector<1x1xf32>
    %add3A_246 = vector.broadcast %broadcast_in_dim3A_245 : vector<1x1xf32> to vector<5000x1xf32>
    %add3A_247 = arith.addf %dot_general3A_242, %add3A_246 : vector<5000x1xf32>
    %swap3A_248 = arith.constant 0 : index
    %swap3A_249 = arith.constant 0 : index
    %swap3A_250 = vector.load %arg36[%swap3A_248, %swap3A_249] : memref<5000x1xf32, #tpu.memory_space<vmem>>, vector<5000x1xf32>
    tpu.vector_store %arg36[%swap3A_248, %swap3A_249], %add3A_247 {strides = array<i32>} : memref<5000x1xf32, #tpu.memory_space<vmem>>, vector<5000x1xf32>,
    return
  }
}

</mosaic_0001>

<sc_bundles>
// kernel: kernel.5.cloned.1.call-start
scs
__scs_entry_jumppad:
0x0: {  	(pc) =	sbr.rel $0x88, $3  }
0x1: {  	(tag) =	ssettag $0x0;
	lr =	simm.s32 $0x1  }
0x2: {  	[smem:$0x3F75] =	sst lr;
	_ =	strace $0xD0000000  }
0x3: {  	_ = 	snop  }
0x4: {  	_ = 	snop  }
0x5: {  	_ = 	snop  }
0x6: {  	_ = 	snop  }
0x7: {  	_ = 	snop  }
__scs_overlays_trampoline_lowered:
0x8: {  	[smem:$0x3F84] =	sst s0  }
0x9: {  	[smem:$0x3F85] =	sst s1  }
0xa: {  	[smem:$0x3F86] =	sst s2  }
0xb: {  	[smem:$0x3F87] =	sst s3  }
0xc: {  	[smem:$0x3F88] =	sst s4  }
0xd: {  	[smem:$0x3F89] =	sst s5  }
0xe: {  	[smem:$0x3F8A] =	sst s6  }
0xf: {  	[smem:$0x3F8B] =	sst s7  }
0x10: {  	[smem:$0x3F8C] =	sst s8  }
0x11: {  	[smem:$0x3F8D] =	sst s9;
	s0 =	simm.s32 @!p0 $0x0  }
0x12: {  	s1 =	sld [smem:$0x3F73];
	s0 =	simm.s32 @p0 $0x1  }
0x13: {  	[smem:$0x3F8E] =	sst s0;
	s0 =	simm.s32 @!p1 $0x0  }
0x14: {  	s2 =	sld [smem:$0x3F72];
	s0 =	simm.s32 @p1 $0x1  }
0x15: {  	[smem:$0x3F8F] =	sst s0;
	s0 =	simm.s32 @!p2 $0x0  }
0x16: {  	s3 =	sld [smem:$0x3FDB];
	s0 =	simm.s32 @p2 $0x1  }
0x17: {  	s4 =	simm.s32 $0x1BF5;
	[smem:$0x3F91] =	sst s0  }
0x18: {  	s0 =	sld [smem:$0x3F74];
	_ =	swait.ge [sflag:s4], $0x0  }
0x19: {  	s7 =	sld [smem:$0x3F75]  }
0x1a: {  	s8 =	sadd.s32 $0xFFFFE003, lr  }
0x1b: {  	s9 =	sadd.s32 $0xFFFFFEF7, lr;
	s5 =	simm.s32 $0xFFFFFFFF;
	p2 =	slt.u32 s8, $0xFFFFF086  }
0x1c: {  	p1 =	slt.u32 s9, $0xF7A;
	s5 =	simm.s32 @!p2 $0x0  }
0x1d: {  	s5 =	simm.s32 @p1 $0x1;
	p0 =	seq.s32 s7, s2  }
0x1e: {  	s7 =	smul.u32 @!p0 $0xF7A, s2;
	p2 =	seq.s32 @!p0 s5, $0x0  }
0x1f: {  	s9 =	smul.u32 $0xF7A, s1;
	s8 =	simm.s32 @!p0 $0x1BF5;
	p2 =	por !p2, p0  }
0x20: {  	[sflag:s8] =	ssyncset.s32 @!p0 $0xFFFFF086;
	s6 =	sadd.s32 @!p0 s3, s7;
	s7 =	simm.s32 @!p0 $0x108  }
0x21: {  	s3 =	sadd.s32 s3, s9;
	s6 =	sadd.s32 @!p0 $0x88, s6;
	s7 =	simm.s32 @p2 $0x1082  }
0x22: {  	[simem:s7], [sflag:s8] =	dma.local @!p0 [hbm:s6], $0xF7A  }
0x23: {  	s9 =	sor.u32 $0xD0000000, s2;
	s6 =	simm.s32 $0x108;
	_ =	swait.ge @!p0 [sflag:s8], $0x0  }
0x24: {  	s3 =	sadd.s32 $0x88, s3;
	s6 =	simm.s32 @!p1 $0x1082;
	[sflag:s4] =	ssyncset.s32 $0xFFFFF086  }
0x25: {  	[simem:s6], [sflag:s4] =	dma.local [hbm:s3], $0xF7A  }
0x26: {  	[smem:$0x3F75] =	sst s1;
	(tag) =	ssettag s2;
	_ =	strace s9  }
0x27: {  	s1 =	sld [smem:$0x3F85]  }
0x28: {  	s2 =	sld [smem:$0x3F86]  }
0x29: {  	s4 =	sld [smem:$0x3F88]  }
0x2a: {  	p0 =	seq.s32 s5, $0x0;
	s5 =	sld [smem:$0x3F89]  }
0x2b: {  	s6 =	sld [smem:$0x3F8A]  }
0x2c: {  	s7 =	sld [smem:$0x3F8B]  }
0x2d: {  	s3 =	simm.s32 $0x108;
	s8 =	sld [smem:$0x3F8C]  }
0x2e: {  	s3 =	simm.s32 @!p0 $0x1082;
	s9 =	sld [smem:$0x3F8D]  }
0x2f: {  	lr =	sadd.s32 s0, s3;
	s0 =	sld [smem:$0x3F84]  }
0x30: {  	s3 =	sld [smem:$0x3F87]  }
0x31: {  	[smem:$0x3F90] =	sst s10  }
0x32: {  	s10 =	sld [smem:$0x3F8E];
	_ =	sdelay $0x3  }
0x33: {  	p0 =	seq.s32 s10, $0x1;
	s10 =	sld [smem:$0x3F90];
	_ =	sdelay $0x3  }
0x34: {  	[smem:$0x3F90] =	sst s10  }
0x35: {  	s10 =	sld [smem:$0x3F8F];
	_ =	sdelay $0x3  }
0x36: {  	p1 =	seq.s32 s10, $0x1;
	s10 =	sld [smem:$0x3F90];
	_ =	sdelay $0x3  }
0x37: {  	[smem:$0x3F90] =	sst s10  }
0x38: {  	s10 =	sld [smem:$0x3F91]  }
0x39: {  	_ = 	snop;
	(pc) =	sbr.ind lr, $3  }
0x3a: {  	_ = 	snop  }
0x3b: {  	_ = 	snop  }
0x3c: {  	p2 =	seq.s32 s10, $0x1;
	s10 =	sld [smem:$0x3F90]  }
0x3d: {  	_ =	shalt  }
0x3e: {  	_ =	shalt  }
0x3f: {  	_ =	shalt  }
0x40: {  	_ =	shalt  }
0x41: {  	_ =	shalt  }
0x42: {  	_ =	shalt  }
0x43: {  	_ =	shalt  }
0x44: {  	_ =	shalt  }
0x45: {  	_ =	shalt  }
0x46: {  	_ =	shalt  }
0x47: {  	_ =	shalt  }
0x48: {  	_ =	shalt  }
0x49: {  	_ =	shalt  }
0x4a: {  	_ =	shalt  }
0x4b: {  	_ =	shalt  }
0x4c: {  	_ =	shalt  }
0x4d: {  	_ =	shalt  }
0x4e: {  	_ =	shalt  }
0x4f: {  	_ =	shalt  }
0x50: {  	_ =	shalt  }
0x51: {  	_ =	shalt  }
0x52: {  	_ =	shalt  }
0x53: {  	_ =	shalt  }
0x54: {  	_ =	shalt  }
0x55: {  	_ =	shalt  }
0x56: {  	_ =	shalt  }
0x57: {  	_ =	shalt  }
0x58: {  	_ =	shalt  }
0x59: {  	_ =	shalt  }
0x5a: {  	_ =	shalt  }
0x5b: {  	_ =	shalt  }
0x5c: {  	_ =	shalt  }
0x5d: {  	_ =	shalt  }
0x5e: {  	_ =	shalt  }
0x5f: {  	_ =	shalt  }
0x60: {  	_ =	shalt  }
0x61: {  	_ =	shalt  }
0x62: {  	_ =	shalt  }
0x63: {  	_ =	shalt  }
0x64: {  	_ =	shalt  }
0x65: {  	_ =	shalt  }
0x66: {  	_ =	shalt  }
0x67: {  	_ =	shalt  }
0x68: {  	_ =	shalt  }
0x69: {  	_ =	shalt  }
0x6a: {  	_ =	shalt  }
0x6b: {  	_ =	shalt  }
0x6c: {  	_ =	shalt  }
0x6d: {  	_ =	shalt  }
0x6e: {  	_ =	shalt  }
0x6f: {  	_ =	shalt  }
0x70: {  	_ =	shalt  }
0x71: {  	_ =	shalt  }
0x72: {  	_ =	shalt  }
0x73: {  	_ =	shalt  }
0x74: {  	_ =	shalt  }
0x75: {  	_ =	shalt  }
0x76: {  	_ =	shalt  }
0x77: {  	_ =	shalt  }
0x78: {  	_ =	shalt  }
0x79: {  	_ =	shalt  }
0x7a: {  	_ =	shalt  }
0x7b: {  	_ =	shalt  }
0x7c: {  	_ =	shalt  }
0x7d: {  	_ =	shalt  }
0x7e: {  	_ =	shalt  }
0x7f: {  	_ =	shalt  }
0x80: {  	_ =	shalt  }
0x81: {  	_ =	shalt  }
0x82: {  	_ =	shalt  }
0x83: {  	_ =	shalt  }
0x84: {  	_ =	shalt  }
0x85: {  	_ =	shalt  }
0x86: {  	_ =	shalt  }
0x87: {  	_ =	shalt  }
.Lfunc_end0:
.L_simem_size_0:
called_computation_lowered:
.L_overlay_start_0:
0x88: {  	s2 =	sld [smem:$0x3FD9]  }
0x89: {  	s3 =	sld [smem:$0x3FFE];
	_ =	sdelay $0x1  }
0x8a: {  	s1 =	srdreg.scid  }
0x8b: {  	s0 =	sand.u32 $0x1, s1  }
0x8c: {  	s14 =	sshll.u32 s0, $0xA;
	s2 =	sadd.s32 s3, s2  }
0x8d: {  	s2 =	sadd.s32 s2, s14  }
0x8e: {  	[smem:$0x3F9C] =	sst s2  }
0x8f: {  	_ = 	snop  }
0x90: {  	s2 =	sld [smem:$0x3FD0];
	_ =	sdelay $0x2  }
0x91: {  	s15 =	simm.s32 $0xA;
	s4 =	simm.s32 $0x10  }
0x92: {  	[smem:s4], [sflag:s15] =	dma.local [hbm:s2], $0x1  }
0x93: {  	_ =	swait.eq [sflag:s15], $0x1  }
0x94: {  	[sflag:s15] =	ssyncset.done $0x0  }
0x95: {  	[sflag:s15] =	ssyncadd.s32 $0xFFFFFFFF  }
0x96: {  	s16 =	sld [smem:$0x10];
	(tm) =	ssettm $0x1  }
0x97: {  	s17 =	sld [smem:$0x3FFB];
	_ =	sdelay $0x3  }
0x98: {  	_ =	strace s17  }
0x99: {  	s3 =	sld [smem:$0x3FFC];
	_ =	sdelay $0x3  }
0x9a: {  	_ =	strace s3  }
0x9b: {  	s3 =	sld [smem:$0x3FFD];
	_ =	sdelay $0x3  }
0x9c: {  	_ =	strace s3  }
0x9d: {  	_ =	strace $0x8FFFFFFF  }
0x9e: {  	s18 =	sld [smem:$0x3FDB];
	_ =	sdelay $0x1  }
0x9f: {  	s19 =	simm.s32 $_scs_section_size  }
0xa0: {  	s5 =	simm.s32 $_size__tile_overlayer_lowered;
	s6 =	simm.s32 $_tile_overlayer_lowered  }
0xa1: {  	s22 =	simm.s32 $0x1BFF;
	s21 =	sshll.u32 s6, $0x1;
	s3 =	sadd.s32 s19, s18  }
0xa2: {  	s7 =	simm.s32 $0x0;
	s20 =	sshll.u32 s5, $0x1;
	s5 =	sadd.s32 s21, s3  }
0xa3: {  	[timem:s7], [sflag:s22] =	dma.local [hbm:s5], s20  }
0xa4: {  	_ =	swait.ge [sflag:s22], s20  }
0xa5: {  	s4 =	ssub.s32 $0x0, s20;
	[sflag:s22] =	ssyncset.done $0x0  }
0xa6: {  	[sflag:s22] =	ssyncadd.s32 s4;
	_ =	sdelay $0x1  }
0xa7: {  	s23 =	simm.s32 $0x1B8B  }
0xa8: {  	_ =	swait.ge [sflag:s23], $0x1  }
0xa9: {  	[sflag:s23] =	ssyncset.done $0x0  }
0xaa: {  	s25 =	simm.s32 $0x1B8E;
	s24 =	sld [smem:$0x3FFE];
	[sflag:s23] =	ssyncadd.s32 $0xFFFFFFFF  }
0xab: {  	s26 =	simm.s32 $execute0_lowered;
	[smem:$0x3FD2] =	sst s25  }
0xac: {  	s5 =	sshll.u32 s26, $0x1;
	_ =	strace $0x80000046;
	[dreg:$0x1] =	wrdreg $0xFFFFFFFF  }
0xad: {  	s28 =	simm.s32 $_size_execute0_lowered;
	s3 =	sadd.s32 s3, s5;
	[dreg:$0x0] =	wrdreg $0x0  }
0xae: {  	s5 =	sshll.u32 s28, $0x1;
	[dreg:$0x2] =	wrdreg s3  }
0xaf: {  	[dreg:$0x3] =	wrdreg s5  }
0xb0: {  	[dreg:$0x4] =	wrdreg $0xC0  }
0xb1: {  	_ =	task [dreg:s7], $0x5FFFF  }
0xb2: {  	[dreg:$0x1] =	wrdreg $0xFFFFFFFF  }
0xb3: {  	[dreg:$0x0] =	wrdreg $0x60  }
0xb4: {  	[dreg:$0x2] =	wrdreg s24  }
0xb5: {  	[dreg:$0x3] =	wrdreg s16  }
0xb6: {  	[dreg:$0x4] =	wrdreg $0x27800  }
0xb7: {  	[dreg:$0x5] =	wrdreg $0x0  }
0xb8: {  	[dreg:$0x6] =	wrdreg $0x9  }
0xb9: {  	_ =	task.clear_ibuf [dreg:s7], $0x7FFFF;
	_ =	strace $0x90000046  }
0xba: {  	s29 =	simm.s32 $0x9;
	_ =	strace $0x80000048  }
0xbb: {  	_ =	swait.ge [sflag:s29], $0x1  }
0xbc: {  	[sflag:s29] =	ssyncadd.s32 $0xFFFFFFFF  }
0xbd: {  	_ =	strace $0x90000048  }
0xbe: {  	_ =	sfence  }
0xbf: {  	s30 =	sld [smem:$0x0];
	_ =	sdelay $0x2  }
0xc0: {  	s31 =	sshll.u32 s1, $0xD;
	s1 =	sshrl.u32 s1, $0x2  }
0xc1: {  	s3 =	sand.u32 $0x4000, s31;
	s1 =	sadd.s32 s1, s30  }
0xc2: {  	s0 =	sor.u32 s3, s0;
	s1 =	sshll.u32 s1, $0x11  }
0xc3: {  	s0 =	sor.u32 s1, s0  }
0xc4: {  	s0 =	sadd.s32 $0x8F2B, s0  }
0xc5: {  	[sflag:s0] =	ssyncadd.remote.s32 $0x1  }
0xc6: {  	_ =	sfence.sel $0xFFFF  }
0xc7: {  	[dreg:$0x0] =	wrdreg $0xFFFFFFFF;
	(pc) =	sbr.abs _section_cstart, $3  }
0xc8: {  	[dreg:$0x1] =	wrdreg $0xFFFFFFFF  }
0xc9: {  	_ =	task.clear_ibuf [dreg:s7], $0x2FFFF;
	_ =	strace $0x9FFFFFFF  }
0xca: {  	(tm) =	ssettm $0x7FFFFFFF  }
0xcb: {  	_ =	shalt  }
tec
execute0_lowered:
.L_overlay_start_1:
0x0: {  	(tag) =	ssettag $0x1  }
0x1: {  	s8 =	rddreg [dreg:$0x0]  }
0x2: {  	s0 =	rddreg [dreg:$0x1]  }
0x3: {  	s3 =	rddreg [dreg:$0x2]  }
0x4: {  	s17 =	srdreg.scid;
	s2 =	rddreg [dreg:$0x3]  }
0x5: {  	s1 =	stileid.u32;
	s4 =	simm.s32 $0x0;
	[dreg:$0x5] =	wrdreg s0  }
0x6: {  	s30 =	sand.u32 $0x1, s17;
	s18 =	smul.u32 $0x2710, s1;
	[smem:$0x7FF] =	sst s4  }
0x7: {  	s7 =	sshll.u32 s1, $0x6;
	s5 =	sshll.u32 s30, $0x4;
	_ =	strace $0x80000047  }
0x8: {  	s19 =	sor.u32 $0x1C01, s7;
	s5 =	sor.u32 s1, s5;
	s6 =	sshrl.u32 s18, $0x3  }
0x9: {  	[dreg:$0x7] =	wrdreg s19;
	s25 =	sadd.s32 s18, s3;
	s5 =	smul.u32 $0x2710, s5  }
0xa: {  	s6 =	sadd.s32 s6, s8;
	s9 =	rddreg [dreg:$0x7];
	s0 =	sshrl.u32 s25, $0x3  }
0xb: {  	s6 =	sadd.s32 $0x3F200, s6;
	[dreg:$0xd] =	wrdreg s0;
	s5 =	sshrl.u32 s5, $0x3  }
0xc: {  	[dreg:$0x6] =	wrdreg s6;
	s11 =	sadd.s32 s5, s8  }
0xd: {  	s23 =	rddreg [dreg:$0x6];
	s20 =	sadd.s32 $0x4600, s11  }
0xe: {  	s21 =	sadd.s32 $0xE240, s11;
	[dreg:$0x8] =	wrdreg s20  }
0xf: {  	s22 =	sadd.s32 $0x4700, s11;
	[dreg:$0x9] =	wrdreg s21  }
0x10: {  	s24 =	sadd.s32 $0xE340, s11;
	[dreg:$0xa] =	wrdreg s22  }
0x11: {  	s26 =	sadd.s32 $0x4800, s11;
	[dreg:$0xb] =	wrdreg s24  }
0x12: {  	s1 =	smul.u32 $0x2780, s1;
	[dreg:$0xc] =	wrdreg s26  }
0x13: {  	[spmem:s0], [sflag:s9] =	dma.local [hbm:s23], $0x4E2  }
0x14: {  	s6 =	sor.u32 $0x1C04, s7;
	s0 =	sadd.s32 s1, s2  }
0x15: {  	s5 =	simm.s32 $0x4;
	s9 =	rddreg [dreg:$0x5];
	s7 =	sshrl.u32 s0, $0x3  }
0x16: {  	[spmem:s7], [sflag:s6] =	dma.local [hbm:s9], $0x4F0  }
0x17: {  	_ =	swait.ge [sflag:s5], $0x4F0  }
0x18: {  	[sflag:s5] =	ssyncset.done $0x0  }
0x19: {  	s9 =	simm.s32 $0x4E90;
	s10 =	rddreg [dreg:$0x8];
	[sflag:s5] =	ssyncadd.s32 $0xFFFFFB10  }
0x1a: {  	[tilespmem:s9], [sflag:$0x1] =	stream.linear.gather [hbm4b:s10+s4], $0x800, $0x38;
	[tilespmem:$0x19E90] =	vst v63  }
0x1b: {  	s12 =	rddreg [dreg:$0x9];
	s10 =	simm.s32 $0x7690  }
0x1c: {  	[tilespmem:s10], [sflag:$0x1] =	stream.linear.gather [hbm4b:s12+s4], $0x800, $0x38;
	[tilespmem:$0x19E90] =	vst v63  }
0x1d: {  	s13 =	simm.s32 $0x5690;
	s14 =	rddreg [dreg:$0xa]  }
0x1e: {  	[tilespmem:s13], [sflag:$0x1] =	stream.linear.gather [hbm4b:s14+s4], $0x800, $0x38;
	[tilespmem:$0x19E90] =	vst v63  }
0x1f: {  	s15 =	simm.s32 $0x7E90;
	s25 =	rddreg [dreg:$0xb]  }
0x20: {  	[tilespmem:s15], [sflag:$0x1] =	stream.linear.gather [hbm4b:s25+s4], $0x800, $0x38;
	[tilespmem:$0x19E90] =	vst v63  }
0x21: {  	s16 =	simm.s32 $0x5E90;
	s26 =	rddreg [dreg:$0xc]  }
0x22: {  	[tilespmem:s16], [sflag:$0x1] =	stream.linear.gather [hbm4b:s26+s4], $0x800, $0x38;
	[tilespmem:$0x19E90] =	vst v63  }
0x23: {  	s18 =	sadd.s32 $0xE440, s11;
	s14 =	simm.s32 $0x8690  }
0x24: {  	[tilespmem:s14], [sflag:$0x1] =	stream.linear.gather [hbm4b:s18+s4], $0x800, $0x38;
	[tilespmem:$0x19E90] =	vst v63  }
0x25: {  	s19 =	simm.s32 $0x6690;
	s20 =	sadd.s32 $0x4900, s11  }
0x26: {  	[tilespmem:s19], [sflag:$0x1] =	stream.linear.gather [hbm4b:s20+s4], $0x800, $0x38;
	[tilespmem:$0x19E90] =	vst v63  }
0x27: {  	s21 =	sadd.s32 $0xE540, s11;
	s12 =	simm.s32 $0x8E90  }
0x28: {  	[tilespmem:s12], [sflag:$0x1] =	stream.linear.gather [hbm4b:s21+s4], $0x800, $0x38;
	[tilespmem:$0x19E90] =	vst v63  }
0x29: {  	s17 =	simm.s32 $0x6E90;
	s22 =	sadd.s32 $0x4A00, s11  }
0x2a: {  	[tilespmem:s17], [sflag:$0x1] =	stream.linear.gather [hbm4b:s22+s4], $0x710, $0x38;
	[tilespmem:$0x19E90] =	vst v63  }
0x2b: {  	s23 =	sadd.s32 $0xE640, s11;
	s11 =	simm.s32 $0x9690  }
0x2c: {  	v0 =	vimm.s32 $0x2710;
	[tilespmem:s11], [sflag:$0x1] =	stream.linear.gather [hbm4b:s23+s4], $0x710, $0x38;
	[tilespmem:$0x19E90] =	vst v63  }
0x2d: {  	v1 =	vimm.s32 $0x0;
	[tilespmem:$0x9E80] =	vst v0  }
0x2e: {  	[tilespmem:$0x7680] =	vst v1  }
0x2f: {  	[tilespmem:$0x9E70] =	vst v0  }
0x30: {  	[tilespmem:$0x7670] =	vst v1  }
0x31: {  	[tilespmem:$0x9E60] =	vst v0  }
0x32: {  	[tilespmem:$0x7660] =	vst v1  }
0x33: {  	[tilespmem:$0x9E50] =	vst v0  }
0x34: {  	[tilespmem:$0x7650] =	vst v1  }
0x35: {  	[tilespmem:$0x9E40] =	vst v0  }
0x36: {  	[tilespmem:$0x7640] =	vst v1  }
0x37: {  	[tilespmem:$0x9E30] =	vst v0  }
0x38: {  	[tilespmem:$0x7630] =	vst v1  }
0x39: {  	[tilespmem:$0x9E20] =	vst v0  }
0x3a: {  	[tilespmem:$0x7620] =	vst v1  }
0x3b: {  	[tilespmem:$0x9E10] =	vst v0  }
0x3c: {  	[tilespmem:$0x7610] =	vst v1  }
0x3d: {  	[tilespmem:$0x9E00] =	vst v0  }
0x3e: {  	[tilespmem:$0x7600] =	vst v1  }
0x3f: {  	[tilespmem:$0x9DF0] =	vst v0  }
0x40: {  	[tilespmem:$0x75F0] =	vst v1  }
0x41: {  	[tilespmem:$0x9DE0] =	vst v0  }
0x42: {  	[tilespmem:$0x75E0] =	vst v1  }
0x43: {  	[tilespmem:$0x9DD0] =	vst v0  }
0x44: {  	[tilespmem:$0x75D0] =	vst v1  }
0x45: {  	[tilespmem:$0x9DC0] =	vst v0  }
0x46: {  	[tilespmem:$0x75C0] =	vst v1  }
0x47: {  	[tilespmem:$0x9DB0] =	vst v0  }
0x48: {  	[tilespmem:$0x75B0] =	vst v1  }
0x49: {  	[tilespmem:$0x75A0] =	vst v1  }
0x4a: {  	s24 =	simm.s32 $0x1;
	[tilespmem:$0x9DA0] =	vst v0  }
0x4b: {  	_ =	swait.ge [sflag:s24], $0x4E2  }
0x4c: {  	[sflag:s24] =	ssyncset.done $0x0  }
0x4d: {  	[sflag:s24] =	ssyncadd.s32 $0xFFFFFB1E  }
0x4e: {  	_ =	swait.ge [sflag:s24], $0x800  }
0x4f: {  	[sflag:s24] =	ssyncset.done $0x0  }
0x50: {  	[sflag:s24] =	ssyncadd.s32 $0xFFFFF800  }
0x51: {  	_ =	swait.ge [sflag:s24], $0x800  }
0x52: {  	[sflag:s24] =	ssyncset.done $0x0  }
0x53: {  	[sflag:s24] =	ssyncadd.s32 $0xFFFFF800  }
0x54: {  	_ =	swait.ge [sflag:s24], $0x800  }
0x55: {  	[sflag:s24] =	ssyncset.done $0x0  }
0x56: {  	[sflag:s24] =	ssyncadd.s32 $0xFFFFF800  }
0x57: {  	_ =	swait.ge [sflag:s24], $0x800  }
0x58: {  	[sflag:s24] =	ssyncset.done $0x0  }
0x59: {  	[sflag:s24] =	ssyncadd.s32 $0xFFFFF800  }
0x5a: {  	_ =	swait.ge [sflag:s24], $0x800  }
0x5b: {  	[sflag:s24] =	ssyncset.done $0x0  }
0x5c: {  	[sflag:s24] =	ssyncadd.s32 $0xFFFFF800  }
0x5d: {  	_ =	swait.ge [sflag:s24], $0x800  }
0x5e: {  	[sflag:s24] =	ssyncset.done $0x0  }
0x5f: {  	[sflag:s24] =	ssyncadd.s32 $0xFFFFF800  }
0x60: {  	_ =	swait.ge [sflag:s24], $0x800  }
0x61: {  	[sflag:s24] =	ssyncset.done $0x0  }
0x62: {  	[sflag:s24] =	ssyncadd.s32 $0xFFFFF800  }
0x63: {  	_ =	swait.ge [sflag:s24], $0x800  }
0x64: {  	[sflag:s24] =	ssyncset.done $0x0  }
0x65: {  	[sflag:s24] =	ssyncadd.s32 $0xFFFFF800  }
0x66: {  	_ =	swait.ge [sflag:s24], $0x710  }
0x67: {  	[sflag:s24] =	ssyncset.done $0x0  }
0x68: {  	[sflag:s24] =	ssyncadd.s32 $0xFFFFF8F0  }
0x69: {  	_ =	swait.ge [sflag:s24], $0x710  }
0x6a: {  	[sflag:s24] =	ssyncset.done $0x0  }
0x6b: {  	[sflag:s24] =	ssyncadd.s32 $0xFFFFF8F0  }
0x6c: {  	s25 =	simm.s32 $0x800;
	s26 =	simm.s32 $0x9E90;
	[bflag:$0x0] =	sbarrier.arrive $0xFFFF  }
0x6d: {  	[tilespmem:s26], [sflag:$0x2] =	stream.indirect.gather [spmem:s3], $0x10, s9, s25, $0xb8;
	[tilespmem:$0x19E90] =	vst v63  }
0x6e: {  	s29 =	simm.s32 $0x11E90;
	s28 =	simm.s32 $0x2  }
0x6f: {  	[tilespmem:s29], [sflag:$0x3] =	stream.indirect.gather [spmem:s3], $0x10, s13, s25, $0xb8;
	[tilespmem:$0x19E90] =	vst v63  }
0x70: {  	_ =	swait.ge [sflag:s28], $0x8000  }
0x71: {  	[sflag:s28] =	ssyncset.done $0x0  }
0x72: {  	s31 =	simm.s32 $0x3;
	[sflag:s28] =	ssyncadd.s32 $0xFFFF8000  }
0x73: {  	[spmem:s2] =	stream.indirect.scatter.add.f32 [tilespmem:s26], [sflag:$0x4], $0x10, s10, s25, $0xb8;
	[tilespmem:$0x19E90] =	vst v63  }
0x74: {  	s0 =	smul.u32 $0x27800, s30;
	s30 =	ssub.s32 $0x2, s30;
	_ =	swait.ge [sflag:s5], $0x8000  }
0x75: {  	s1 =	smov.u32 s1;
	s9 =	sshrl.u32 s30, $0x1;
	[sflag:s5] =	ssyncset.done $0x0  }
0x76: {  	s1 =	sadd.s32 s1, s0;
	s0 =	ssub.s32 s30, s9;
	[sflag:s5] =	ssyncadd.s32 $0xFFFF8000  }
0x77: {  	[tilespmem:s26], [sflag:$0x2] =	stream.indirect.gather [spmem:s3], $0x10, s16, s25, $0xb8;
	[tilespmem:$0x19E90] =	vst v63  }
0x78: {  	s0 =	smax.u32 s0, $0x1;
	_ =	swait.ge [sflag:s31], $0x8000  }
0x79: {  	p0 =	sne.s32 s0, $0x1;
	[sflag:s31] =	ssyncset.done $0x0  }
.Ltmp0:
0x7a: {  	[sflag:s31] =	ssyncadd.s32 $0xFFFF8000;
	(pc) =	sbr.rel @!p0 .LBB2_2-.Ltmp0, $4  }
0x7b: {  	[spmem:s2] =	stream.indirect.scatter.add.f32 [tilespmem:s29], [sflag:$0x4], $0x10, s15, s25, $0xb8;
	[tilespmem:$0x19E90] =	vst v63  }
0x7c: {  	s1 =	sshrl.u32 s1, $0x3;
	s9 =	rddreg [dreg:$0x0]  }
0x7d: {  	s1 =	sadd.s32 s1, s9  }
0x7e: {  	_ =	swait.ge [sflag:s5], $0x8000;
	s30 =	sadd.s32 $0x44200, s1;
	s1 =	sadd.s32 $0xFFFFFFFF, s0  }
.LBB2_1:
0x7f: {  	[sflag:s5] =	ssyncset.done $0x0  }
0x80: {  	[sflag:s5] =	ssyncadd.s32 $0xFFFF8000  }
0x81: {  	[tilespmem:s29], [sflag:$0x3] =	stream.indirect.gather [spmem:s3], $0x10, s19, s25, $0xb8;
	[tilespmem:$0x19E90] =	vst v63  }
0x82: {  	_ =	swait.ge [sflag:s28], $0x8000  }
0x83: {  	[sflag:s28] =	ssyncset.done $0x0  }
0x84: {  	[sflag:s28] =	ssyncadd.s32 $0xFFFF8000  }
0x85: {  	[spmem:s2] =	stream.indirect.scatter.add.f32 [tilespmem:s26], [sflag:$0x4], $0x10, s14, s25, $0xb8;
	[tilespmem:$0x19E90] =	vst v63  }
0x86: {  	_ =	swait.ge [sflag:s5], $0x8000  }
0x87: {  	[sflag:s5] =	ssyncset.done $0x0  }
0x88: {  	[sflag:s5] =	ssyncadd.s32 $0xFFFF8000  }
0x89: {  	[tilespmem:s26], [sflag:$0x2] =	stream.indirect.gather [spmem:s3], $0x10, s17, s25, $0xb8;
	[tilespmem:$0x19E90] =	vst v63  }
0x8a: {  	_ =	swait.ge [sflag:s31], $0x8000  }
0x8b: {  	[sflag:s31] =	ssyncset.done $0x0  }
0x8c: {  	[sflag:s31] =	ssyncadd.s32 $0xFFFF8000  }
0x8d: {  	[spmem:s2] =	stream.indirect.scatter.add.f32 [tilespmem:s29], [sflag:$0x4], $0x10, s12, s25, $0xb8;
	[tilespmem:$0x19E90] =	vst v63  }
0x8e: {  	_ =	swait.ge [sflag:s5], $0x8000  }
0x8f: {  	[sflag:s5] =	ssyncset.done $0x0  }
0x90: {  	[sflag:s5] =	ssyncadd.s32 $0xFFFF8000  }
0x91: {  	_ =	swait.ge [sflag:s28], $0x8000  }
0x92: {  	[sflag:s28] =	ssyncset.done $0x0  }
0x93: {  	[sflag:s28] =	ssyncadd.s32 $0xFFFF8000  }
0x94: {  	[spmem:s2] =	stream.indirect.scatter.add.f32 [tilespmem:s26], [sflag:$0x4], $0x10, s11, s25, $0xb8;
	[tilespmem:$0x19E90] =	vst v63  }
0x95: {  	_ =	swait.ge [sflag:s5], $0x8000  }
0x96: {  	[sflag:s5] =	ssyncset.done $0x0  }
0x97: {  	[sflag:s5] =	ssyncadd.s32 $0xFFFF8000  }
0x98: {  	[bflag:$0x0] =	sbarrier.arrive $0xFFFF  }
0x99: {  	[hbm:s30], [sflag:s6] =	dma.local [spmem:s7], $0x4F0  }
0x9a: {  	_ =	swait.ge [sflag:s5], $0x4F0  }
0x9b: {  	s0 =	rddreg [dreg:$0x6]  }
0x9c: {  	[sflag:s5] =	ssyncset.done $0x0;
	s8 =	rddreg [dreg:$0x7]  }
0x9d: {  	s9 =	rddreg [dreg:$0xd];
	[sflag:s5] =	ssyncadd.s32 $0xFFFFFB10  }
0x9e: {  	[spmem:s9], [sflag:s8] =	dma.local [hbm:s0], $0x4E2  }
0x9f: {  	s0 =	rddreg [dreg:$0x5]  }
0xa0: {  	[spmem:s7], [sflag:s6] =	dma.local [hbm:s0], $0x4F0  }
0xa1: {  	_ =	swait.ge [sflag:s5], $0x4F0  }
0xa2: {  	[sflag:s5] =	ssyncset.done $0x0  }
0xa3: {  	s9 =	simm.s32 $0x4E90;
	s0 =	rddreg [dreg:$0x8];
	[sflag:s5] =	ssyncadd.s32 $0xFFFFFB10  }
0xa4: {  	[tilespmem:s9], [sflag:$0x1] =	stream.linear.gather [hbm4b:s0+s4], $0x800, $0x38;
	[tilespmem:$0x19E90] =	vst v63  }
0xa5: {  	s8 =	rddreg [dreg:$0x9]  }
0xa6: {  	[tilespmem:s10], [sflag:$0x1] =	stream.linear.gather [hbm4b:s8+s4], $0x800, $0x38;
	[tilespmem:$0x19E90] =	vst v63  }
0xa7: {  	s0 =	rddreg [dreg:$0xa]  }
0xa8: {  	[tilespmem:s13], [sflag:$0x1] =	stream.linear.gather [hbm4b:s0+s4], $0x800, $0x38;
	[tilespmem:$0x19E90] =	vst v63  }
0xa9: {  	s8 =	rddreg [dreg:$0xb]  }
0xaa: {  	[tilespmem:s15], [sflag:$0x1] =	stream.linear.gather [hbm4b:s8+s4], $0x800, $0x38;
	[tilespmem:$0x19E90] =	vst v63  }
0xab: {  	s0 =	rddreg [dreg:$0xc]  }
0xac: {  	[tilespmem:s16], [sflag:$0x1] =	stream.linear.gather [hbm4b:s0+s4], $0x800, $0x38;
	[tilespmem:$0x19E90] =	vst v63  }
0xad: {  	_ = 	snop  }
0xae: {  	[tilespmem:s14], [sflag:$0x1] =	stream.linear.gather [hbm4b:s18+s4], $0x800, $0x38;
	[tilespmem:$0x19E90] =	vst v63  }
0xaf: {  	_ = 	snop  }
0xb0: {  	[tilespmem:s19], [sflag:$0x1] =	stream.linear.gather [hbm4b:s20+s4], $0x800, $0x38;
	[tilespmem:$0x19E90] =	vst v63  }
0xb1: {  	_ = 	snop  }
0xb2: {  	[tilespmem:s12], [sflag:$0x1] =	stream.linear.gather [hbm4b:s21+s4], $0x800, $0x38;
	[tilespmem:$0x19E90] =	vst v63  }
0xb3: {  	_ = 	snop  }
0xb4: {  	[tilespmem:s17], [sflag:$0x1] =	stream.linear.gather [hbm4b:s22+s4], $0x710, $0x38;
	[tilespmem:$0x19E90] =	vst v63  }
0xb5: {  	_ = 	snop  }
0xb6: {  	[tilespmem:s11], [sflag:$0x1] =	stream.linear.gather [hbm4b:s23+s4], $0x710, $0x38;
	[tilespmem:$0x19E90] =	vst v63  }
0xb7: {  	[tilespmem:$0x9E80] =	vst v0  }
0xb8: {  	[tilespmem:$0x7680] =	vst v1  }
0xb9: {  	[tilespmem:$0x9E70] =	vst v0  }
0xba: {  	[tilespmem:$0x7670] =	vst v1  }
0xbb: {  	[tilespmem:$0x9E60] =	vst v0  }
0xbc: {  	[tilespmem:$0x7660] =	vst v1  }
0xbd: {  	[tilespmem:$0x9E50] =	vst v0  }
0xbe: {  	[tilespmem:$0x7650] =	vst v1  }
0xbf: {  	[tilespmem:$0x9E40] =	vst v0  }
0xc0: {  	[tilespmem:$0x7640] =	vst v1  }
0xc1: {  	[tilespmem:$0x9E30] =	vst v0  }
0xc2: {  	[tilespmem:$0x7630] =	vst v1  }
0xc3: {  	[tilespmem:$0x9E20] =	vst v0  }
0xc4: {  	[tilespmem:$0x7620] =	vst v1  }
0xc5: {  	[tilespmem:$0x9E10] =	vst v0  }
0xc6: {  	[tilespmem:$0x7610] =	vst v1  }
0xc7: {  	[tilespmem:$0x9E00] =	vst v0  }
0xc8: {  	[tilespmem:$0x7600] =	vst v1  }
0xc9: {  	[tilespmem:$0x9DF0] =	vst v0  }
0xca: {  	[tilespmem:$0x75F0] =	vst v1  }
0xcb: {  	[tilespmem:$0x9DE0] =	vst v0  }
0xcc: {  	[tilespmem:$0x75E0] =	vst v1  }
0xcd: {  	[tilespmem:$0x9DD0] =	vst v0  }
0xce: {  	[tilespmem:$0x75D0] =	vst v1  }
0xcf: {  	[tilespmem:$0x9DC0] =	vst v0  }
0xd0: {  	[tilespmem:$0x75C0] =	vst v1  }
0xd1: {  	[tilespmem:$0x9DB0] =	vst v0  }
0xd2: {  	[tilespmem:$0x75B0] =	vst v1  }
0xd3: {  	[tilespmem:$0x75A0] =	vst v1  }
0xd4: {  	[tilespmem:$0x9DA0] =	vst v0  }
0xd5: {  	_ =	swait.ge [sflag:s24], $0x4E2  }
0xd6: {  	[sflag:s24] =	ssyncset.done $0x0  }
0xd7: {  	[sflag:s24] =	ssyncadd.s32 $0xFFFFFB1E  }
0xd8: {  	_ =	swait.ge [sflag:s24], $0x800  }
0xd9: {  	[sflag:s24] =	ssyncset.done $0x0  }
0xda: {  	[sflag:s24] =	ssyncadd.s32 $0xFFFFF800  }
0xdb: {  	_ =	swait.ge [sflag:s24], $0x800  }
0xdc: {  	[sflag:s24] =	ssyncset.done $0x0  }
0xdd: {  	[sflag:s24] =	ssyncadd.s32 $0xFFFFF800  }
0xde: {  	_ =	swait.ge [sflag:s24], $0x800  }
0xdf: {  	[sflag:s24] =	ssyncset.done $0x0  }
0xe0: {  	[sflag:s24] =	ssyncadd.s32 $0xFFFFF800  }
0xe1: {  	_ =	swait.ge [sflag:s24], $0x800  }
0xe2: {  	[sflag:s24] =	ssyncset.done $0x0  }
0xe3: {  	[sflag:s24] =	ssyncadd.s32 $0xFFFFF800  }
0xe4: {  	_ =	swait.ge [sflag:s24], $0x800  }
0xe5: {  	[sflag:s24] =	ssyncset.done $0x0  }
0xe6: {  	[sflag:s24] =	ssyncadd.s32 $0xFFFFF800  }
0xe7: {  	_ =	swait.ge [sflag:s24], $0x800  }
0xe8: {  	[sflag:s24] =	ssyncset.done $0x0  }
0xe9: {  	[sflag:s24] =	ssyncadd.s32 $0xFFFFF800  }
0xea: {  	_ =	swait.ge [sflag:s24], $0x800  }
0xeb: {  	[sflag:s24] =	ssyncset.done $0x0  }
0xec: {  	[sflag:s24] =	ssyncadd.s32 $0xFFFFF800  }
0xed: {  	_ =	swait.ge [sflag:s24], $0x800  }
0xee: {  	[sflag:s24] =	ssyncset.done $0x0  }
0xef: {  	[sflag:s24] =	ssyncadd.s32 $0xFFFFF800  }
0xf0: {  	_ =	swait.ge [sflag:s24], $0x710  }
0xf1: {  	[sflag:s24] =	ssyncset.done $0x0  }
0xf2: {  	[sflag:s24] =	ssyncadd.s32 $0xFFFFF8F0  }
0xf3: {  	_ =	swait.ge [sflag:s24], $0x710  }
0xf4: {  	[sflag:s24] =	ssyncset.done $0x0  }
0xf5: {  	[sflag:s24] =	ssyncadd.s32 $0xFFFFF8F0  }
0xf6: {  	[bflag:$0x0] =	sbarrier.arrive $0xFFFF  }
0xf7: {  	[tilespmem:s26], [sflag:$0x2] =	stream.indirect.gather [spmem:s3], $0x10, s9, s25, $0xb8;
	[tilespmem:$0x19E90] =	vst v63  }
0xf8: {  	_ = 	snop  }
0xf9: {  	[tilespmem:s29], [sflag:$0x3] =	stream.indirect.gather [spmem:s3], $0x10, s13, s25, $0xb8;
	[tilespmem:$0x19E90] =	vst v63  }
0xfa: {  	_ =	swait.ge [sflag:s28], $0x8000  }
0xfb: {  	[sflag:s28] =	ssyncset.done $0x0  }
0xfc: {  	[sflag:s28] =	ssyncadd.s32 $0xFFFF8000  }
0xfd: {  	[spmem:s2] =	stream.indirect.scatter.add.f32 [tilespmem:s26], [sflag:$0x4], $0x10, s10, s25, $0xb8;
	[tilespmem:$0x19E90] =	vst v63  }
0xfe: {  	_ =	swait.ge [sflag:s5], $0x8000  }
0xff: {  	[sflag:s5] =	ssyncset.done $0x0  }
0x100: {  	p0 =	sne.s32 s1, $0x1;
	[sflag:s5] =	ssyncadd.s32 $0xFFFF8000  }
0x101: {  	[tilespmem:s26], [sflag:$0x2] =	stream.indirect.gather [spmem:s3], $0x10, s16, s25, $0xb8;
	[tilespmem:$0x19E90] =	vst v63  }
.Ltmp1:
0x102: {  	_ =	swait.ge [sflag:s31], $0x8000;
	(pc) =	sbr.rel @p0 .LBB2_1-.Ltmp1, $4  }
0x103: {  	[sflag:s31] =	ssyncset.done $0x0  }
0x104: {  	[sflag:s31] =	ssyncadd.s32 $0xFFFF8000  }
0x105: {  	[spmem:s2] =	stream.indirect.scatter.add.f32 [tilespmem:s29], [sflag:$0x4], $0x10, s15, s25, $0xb8;
	[tilespmem:$0x19E90] =	vst v63  }
0x106: {  	s1 =	sadd.s32 $0xFFFFFFFF, s1;
	_ =	swait.ge [sflag:s5], $0x8000  }
.LBB2_2:
0x107: {  	[sflag:s5] =	ssyncset.done $0x0  }
0x108: {  	[sflag:s5] =	ssyncadd.s32 $0xFFFF8000  }
0x109: {  	[tilespmem:s29], [sflag:$0x3] =	stream.indirect.gather [spmem:s3], $0x10, s19, s25, $0xb8;
	[tilespmem:$0x19E90] =	vst v63  }
0x10a: {  	_ =	swait.ge [sflag:s28], $0x8000  }
0x10b: {  	[sflag:s28] =	ssyncset.done $0x0  }
0x10c: {  	[sflag:s28] =	ssyncadd.s32 $0xFFFF8000  }
0x10d: {  	[spmem:s2] =	stream.indirect.scatter.add.f32 [tilespmem:s26], [sflag:$0x4], $0x10, s14, s25, $0xb8;
	[tilespmem:$0x19E90] =	vst v63  }
0x10e: {  	_ =	swait.ge [sflag:s5], $0x8000  }
0x10f: {  	[sflag:s5] =	ssyncset.done $0x0  }
0x110: {  	[sflag:s5] =	ssyncadd.s32 $0xFFFF8000  }
0x111: {  	[tilespmem:s26], [sflag:$0x2] =	stream.indirect.gather [spmem:s3], $0x10, s17, s25, $0xb8;
	[tilespmem:$0x19E90] =	vst v63  }
0x112: {  	_ =	swait.ge [sflag:s31], $0x8000  }
0x113: {  	[sflag:s31] =	ssyncset.done $0x0  }
0x114: {  	[sflag:s31] =	ssyncadd.s32 $0xFFFF8000  }
0x115: {  	[spmem:s2] =	stream.indirect.scatter.add.f32 [tilespmem:s29], [sflag:$0x4], $0x10, s12, s25, $0xb8;
	[tilespmem:$0x19E90] =	vst v63  }
0x116: {  	_ =	swait.ge [sflag:s5], $0x8000  }
0x117: {  	[sflag:s5] =	ssyncset.done $0x0  }
0x118: {  	[sflag:s5] =	ssyncadd.s32 $0xFFFF8000  }
0x119: {  	_ =	swait.ge [sflag:s28], $0x8000  }
0x11a: {  	[sflag:s28] =	ssyncset.done $0x0  }
0x11b: {  	[sflag:s28] =	ssyncadd.s32 $0xFFFF8000  }
0x11c: {  	[spmem:s2] =	stream.indirect.scatter.add.f32 [tilespmem:s26], [sflag:$0x4], $0x10, s11, s25, $0xb8;
	[tilespmem:$0x19E90] =	vst v63  }
0x11d: {  	_ =	swait.ge [sflag:s5], $0x8000  }
0x11e: {  	[sflag:s5] =	ssyncset.done $0x0  }
0x11f: {  	[sflag:s5] =	ssyncadd.s32 $0xFFFF8000  }
0x120: {  	[bflag:$0x0] =	sbarrier.arrive $0xFFFF  }
0x121: {  	[hbm:s30], [sflag:s6] =	dma.local [spmem:s7], $0x4F0  }
0x122: {  	_ =	swait.ge [sflag:s5], $0x4F0  }
0x123: {  	[sflag:s5] =	ssyncset.done $0x0  }
0x124: {  	[sflag:s5] =	ssyncadd.s32 $0xFFFFFB10  }
0x125: {  	_ =	sfence.sel $0x180000  }
0x126: {  	[bflag:$0x0] =	sbarrier.arrive $0xFFFF  }
0x127: {  	_ =	strace $0x90000047  }
0x128: {  	s0 =	stileid.u32;
	[bflag:$0x2] =	sbarrier.arrive $0xFFFF  }
0x129: {  	p0 =	sne.s32 s0, $0x0;
	s0 =	rddreg [dreg:$0x4]  }
0x12a: {  	s0 =	sadd.s32 @!p0 $0x100000, s0  }
0x12b: {  	[sflag:s0] =	ssyncadd.tile.s32 @!p0 $0x1;
	_ =	shalt  }
.Lfunc_end2:
_tile_overlayer_lowered:
.L_overlay_start_2:
0x12c: {  	(tag) =	ssettag $0x2  }
0x12d: {  	s0 =	rddreg [dreg:$0x0];
	s2 =	stileid.u32  }
0x12e: {  	s1 =	rddreg [dreg:$0x1];
	p0 =	sne.s32 s2, $0x0  }
0x12f: {  	s3 =	rddreg [dreg:$0x2];
	[bflag:$0x3] =	sbarrier.arrive $0xFFFF;
	s2 =	simm.s32 @!p0 $0x1C04  }
0x130: {  	[timem:s3], [sflag:s2] =	dma.local @!p0 [hbm:s0], s1  }
0x131: {  	s0 =	simm.s32 @!p0 $0x4  }
0x132: {  	_ =	swait.ge @!p0 [sflag:s0], s1  }
0x133: {  	s1 =	ssub.s32 @!p0 $0x0, s1;
	[sflag:s0] =	ssyncset.done @!p0 $0x0  }
0x134: {  	[sflag:s0] =	ssyncadd.s32 @!p0 s1  }
0x135: {  	[bflag:$0x3] =	sbarrier.arrive $0xFFFF  }
0x136: {  	_ =	shalt  }

</sc_bundles>
